<compile_context>
chip_gen: v7x
topology: tpu7x:2x2x1
jax: 0.10.2.dev20260603
libtpu: 0.0.44.dev20260713+nightly
codegen_flags: <defaults>
</compile_context>

<pallas_src>
import functools

import jax
import jax.numpy as jnp
from jax import lax
from jax.experimental import pallas as pl
from jax.experimental.pallas import tpu as pltpu
from jax.experimental.pallas import tpu_sc as plsc

_SIZE = 100000
_DIM = 32
_BATCH = 1024
_TILE = 10000
_NTILES = _SIZE // _TILE
_LANES = 128
_RB = 1024
_NRB = _BATCH // _RB

_NC = 2
_NS = 16
_NW = _NC * _NS
_BPW = _BATCH // _NW


def _argmax_body(x_ref, cand_ref, qidx_ref, bestsim_ref, simmean_ref,
                 bv_ref, bi_ref, ncn_ref):
    i = pl.program_id(0)
    r = pl.program_id(1)

    xx = x_ref[...]
    xnorm = jnp.sqrt(jnp.sum(xx * xx, axis=1, keepdims=True))
    nx = xx / jnp.maximum(xnorm, 1e-12)

    @pl.when(r == 0)
    def _prep():
        c = cand_ref[:, :_DIM]
        cnorm = jnp.sqrt(jnp.sum(c * c, axis=1, keepdims=True))
        ncn_ref[...] = c / jnp.maximum(cnorm, 1e-12)

    sim = lax.dot_general(
        nx, ncn_ref[...], (((1,), (1,)), ((), ())),
        preferred_element_type=jnp.float32,
    )
    m = sim[:, :_LANES]
    tc = jnp.zeros((_RB, _LANES), jnp.int32)
    for j in range(1, -(-_TILE // _LANES)):
        v = sim[:, j * _LANES:min((j + 1) * _LANES, _TILE)]
        if v.shape[1] < _LANES:
            v = jnp.concatenate(
                [v, jnp.full((_RB, _LANES - v.shape[1]), -jnp.inf,
                             jnp.float32)], axis=1)
        upd = v > m
        m = jnp.where(upd, v, m)
        tc = jnp.where(upd, j, tc)

    tmax = jnp.max(m, axis=1, keepdims=True)
    col = tc * _LANES + lax.broadcasted_iota(jnp.int32, (_RB, _LANES), 1)
    cand = jnp.where(m == tmax, col, jnp.int32(2**31 - 1))
    targ = jnp.min(cand, axis=1, keepdims=True)

    rows = pl.ds(r * _RB, _RB)

    @pl.when(i == 0)
    def _init():
        bv_ref[rows, :] = jnp.full((_RB, 1), -jnp.inf, jnp.float32)
        bi_ref[rows, :] = jnp.zeros((_RB, 1), jnp.int32)

    upd2 = tmax > bv_ref[rows, :]
    bi_ref[rows, :] = jnp.where(upd2, i * _TILE + targ, bi_ref[rows, :])
    bv_ref[rows, :] = jnp.where(upd2, tmax, bv_ref[rows, :])

    @pl.when(i == _NTILES - 1)
    def _fin():
        qidx_ref[rows, :] = bi_ref[rows, :]
        bestsim_ref[rows, :] = bv_ref[rows, :]

    @pl.when((i == _NTILES - 1) & (r == _NRB - 1))
    def _mean():
        simmean_ref[...] = jnp.full(
            (8, _LANES), jnp.sum(bv_ref[...]) / _BATCH, jnp.float32)


def _tc_argmax(x, qx2):
    return pl.pallas_call(
        _argmax_body,
        grid=(_NTILES, _NRB),
        in_specs=[
            pl.BlockSpec((_RB, _DIM), lambda i, r: (r, 0)),
            pl.BlockSpec((_TILE, 2 * _DIM), lambda i, r: (i, 0)),
        ],
        out_specs=[
            pl.BlockSpec((_BATCH, 1), lambda i, r: (0, 0)),
            pl.BlockSpec((_BATCH, 1), lambda i, r: (0, 0)),
            pl.BlockSpec((8, _LANES), lambda i, r: (0, 0)),
        ],
        out_shape=[
            jax.ShapeDtypeStruct((_BATCH, 1), jnp.int32),
            jax.ShapeDtypeStruct((_BATCH, 1), jnp.float32),
            jax.ShapeDtypeStruct((8, _LANES), jnp.float32),
        ],
        scratch_shapes=[
            pltpu.VMEM((_BATCH, 1), jnp.float32),
            pltpu.VMEM((_BATCH, 1), jnp.int32),
            pltpu.VMEM((_TILE, _DIM), jnp.float32),
        ],
    )(x, qx2)


def _sc_gather_body(qx_hbm, age_hbm, idx_hbm, rows_out, psum_out,
                    idx_v, rows_v, age_v, psum_v, sem):
    wid = lax.axis_index("s") * _NC + lax.axis_index("c")
    base = wid * _BPW
    pltpu.sync_copy(idx_hbm.at[pl.ds(base, _BPW)], idx_v)
    pltpu.async_copy(qx_hbm.at[idx_v], rows_v, sem).wait()
    pltpu.async_copy(age_hbm.at[idx_v], age_v, sem).wait()
    pltpu.sync_copy(rows_v.at[:, pl.ds(0, _DIM)],
                    rows_out.at[pl.ds(base, _BPW)])
    a = jnp.zeros((16,), jnp.float32)
    for k in range(_BPW // 16):
        a = a + age_v[pl.ds(k * 16, 16)].astype(jnp.float32)
    psum_v[0, :] = a
    pltpu.sync_copy(psum_v, psum_out.at[pl.ds(wid, 1)])


def _sc_gather(queue_x, queue_age, nn_qidx):
    mesh = plsc.VectorSubcoreMesh(core_axis_name="c", subcore_axis_name="s")
    fn = functools.partial(
        pl.kernel,
        mesh=mesh,
        out_type=[
            jax.ShapeDtypeStruct((_BATCH, _DIM), jnp.float32),
            jax.ShapeDtypeStruct((_NW, 16), jnp.float32),
        ],
        scratch_types=[
            pltpu.VMEM((_BPW,), jnp.int32),
            pltpu.VMEM((_BPW, 2 * _DIM), jnp.float32),
            pltpu.VMEM((_BPW,), jnp.int32),
            pltpu.VMEM((1, 16), jnp.float32),
            pltpu.SemaphoreType.DMA,
        ],
        compiler_params=pltpu.CompilerParams(use_tc_tiling_on_sc=False),
    )(_sc_gather_body)
    return fn(queue_x, queue_age, nn_qidx)


def kernel(x, idx, queue_x, queue_age):
    qx2 = queue_x.reshape(_SIZE, 2 * _DIM)
    nn_qidx2, best_sim, sim_mean = _tc_argmax(x, qx2)
    nn_qidx = nn_qidx2.reshape(_BATCH)
    nn_x, age_psums = _sc_gather(qx2, queue_age, nn_qidx)
    age_mean = jnp.sum(age_psums) / _BATCH
    return (nn_x, sim_mean[0, 0], age_mean)

# --- scband reference (transcript-rebuilt; emitter-appended) ---
"""Pipeline reference for scband-nnclr-vote-queue-48670569398434 (READ-ONLY COPY).

The authoritative reference and input builder live on the scoring server;
editing this copy changes nothing except your own understanding.
"""

import jax, jax.numpy as jnp
import numpy as np

SIZE = 100000
DIM = 32
NUM_QUEUES = 2
BATCH = 1024
SWAP_TOPK = 1

def _l2norm(a, eps=1e-12):
    n = jnp.linalg.norm(a, axis=-1, keepdims=True)
    return a / jnp.maximum(n, eps)

def setup_inputs(seed: int = 0) -> dict:
    key = jax.random.key(seed)
    k1, k2, k3 = jax.random.split(key, 3)
    x = jax.random.normal(k1, (BATCH, DIM), dtype=jnp.float32)
    idx = jax.random.randint(k2, (BATCH,), 0, SIZE, dtype=jnp.int32)
    # queue buffers (registered buffers in the torch module)
    queue_x = jax.random.normal(k3, (SIZE, NUM_QUEUES, DIM), dtype=jnp.float32)
    queue_age = jnp.zeros((SIZE,), dtype=jnp.int32)
    return {"x": x, "idx": idx, "queue_x": queue_x, "queue_age": queue_age}

def reference(x, idx, queue_x, queue_age):
    # Eval-mode path with voting_topk=None, candidates_mode='view0', num_views=1.
    batch_size = idx.shape[0]
    normed_x = _l2norm(x)
    # candidates = self.x[:, 0].unsqueeze(0).expand(batch_size, -1, -1)
    candidates = queue_x[:, 0]  # [SIZE, DIM] (expand is a broadcast view)
    normed_candidates = _l2norm(candidates)
    # sim = einsum('bd,bkd->bk', normed_x, normed_candidates) with broadcast candidates
    sim = normed_x @ normed_candidates.T  # [BATCH, SIZE]
    # topk with swap_topk=1 -> argmax neighbor
    topk_sim, topk_qidx = jax.lax.top_k(sim, SWAP_TOPK)
    nn_qidx = topk_qidx[:, 0]
    # gather nearest-neighbor (unnormalized) candidate vectors
    nn_x = jnp.take(candidates, nn_qidx, axis=0)  # [BATCH, DIM]
    # metrics (reduction='mean')
    cos = jnp.sum(_l2norm(x) * _l2norm(nn_x), axis=-1)
    nn_age = jnp.take(queue_age, nn_qidx, axis=0)
    nn_similarity = jnp.mean(cos)
    nn_age_mean = jnp.mean(nn_age.astype(jnp.float32))
    return (nn_x, nn_similarity, nn_age_mean)

if __name__ == "__main__":
    import jax
    _d = setup_inputs()
    print(jax.jit(kernel)(*tuple(_d.values())))

</pallas_src>

<mosaic_0001>
#map = affine_map<(d0, d1) -> (0, 0)>
#map1 = affine_map<(d0, d1) -> (0)>
module attributes {stable_mosaic.version = 14 : i64} {
  func.func @_sc_gather_body(%arg0: i32, %arg1: i32, %arg2: memref<100000x64xf32, #tpu.memory_space<hbm>>, %arg3: memref<100000xi32, #tpu.memory_space<hbm>>, %arg4: memref<1024xi32, #tpu.memory_space<hbm>>, %arg5: memref<1024x32xf32, #tpu.memory_space<hbm>>, %arg6: memref<32x16xf32, #tpu.memory_space<hbm>>, %arg7: memref<32xi32, #tpu.memory_space<vmem>>, %arg8: memref<32x64xf32, #tpu.memory_space<vmem>>, %arg9: memref<32xi32, #tpu.memory_space<vmem>>, %arg10: memref<1x16xf32, #tpu.memory_space<vmem>>, %arg11: memref<!tpu.dma_semaphore, #tpu.memory_space<semaphore_mem>>) attributes {dimension_semantics = [#tpu.dimension_semantics<core_parallel>, #tpu.dimension_semantics<subcore_parallel>], iteration_bounds = array<i64: 2, 16>, scalar_prefetch = 0 : i64, scratch_operands = 5 : i64, tpu.core_type = #tpu.core_type<sc_vector_subcore>, window_params = [{transform_indices = #map}, {transform_indices = #map1}, {transform_indices = #map1}, {transform_indices = #map}, {transform_indices = #map}]} {
    %mul3A = arith.constant 2 : i32
    %mul3A_0 = arith.muli %arg1, %mul3A : i32
    %add3A = arith.addi %mul3A_0, %arg0 : i32
    %mul3A_1 = arith.constant 32 : i32
    %mul3A_2 = arith.muli %add3A, %mul3A_1 : i32
    "tpu.region"() ({
      %run_scoped3A = tpu.sem_alloc : memref<!tpu.dma_semaphore, #tpu.memory_space<semaphore_mem>>
      %dma_start3A_25 = tpu.memref_slice %arg4[%mul3A_2] : memref<1024xi32, #tpu.memory_space<hbm>> -> memref<32xi32, #tpu.memory_space<hbm>>
      %dma_start3A_26 = tpu.memref_slice %arg4[%mul3A_2] : memref<1024xi32, #tpu.memory_space<hbm>> -> memref<32xi32, #tpu.memory_space<hbm>>
      tpu.enqueue_dma source(%dma_start3A_26 : memref<32xi32, #tpu.memory_space<hbm>>) target(%arg7 : memref<32xi32, #tpu.memory_space<vmem>>) target_semaphore(%run_scoped3A : memref<!tpu.dma_semaphore, #tpu.memory_space<semaphore_mem>>)
      %dma_wait3A_27 = tpu.memref_slice %arg4[%mul3A_2] : memref<1024xi32, #tpu.memory_space<hbm>> -> memref<32xi32, #tpu.memory_space<hbm>>
      %dma_wait3A_28 = tpu.memref_slice %arg4[%mul3A_2] : memref<1024xi32, #tpu.memory_space<hbm>> -> memref<32xi32, #tpu.memory_space<hbm>>
      tpu.wait_dma2 semaphore(%run_scoped3A : memref<!tpu.dma_semaphore, #tpu.memory_space<semaphore_mem>>) src(%dma_wait3A_28 : memref<32xi32, #tpu.memory_space<hbm>>) dst(%arg7 : memref<32xi32, #tpu.memory_space<vmem>>)
      tpu.yield
    }) : () -> ()
    %dma_start3A = arith.constant 0 : i32
    %dma_start3A_3 = arith.constant 0 : i32
    %dma_start3A_4 = tpu.memref_slice %arg2[%dma_start3A, %dma_start3A_3] : memref<100000x64xf32, #tpu.memory_space<hbm>> -> memref<100000x64xf32, #tpu.memory_space<hbm>>
    tpu.enqueue_indirect_dma source(%dma_start3A_4 : memref<100000x64xf32, #tpu.memory_space<hbm>>) target(%arg8 : memref<32x64xf32, #tpu.memory_space<vmem>>) offsets(%arg7 : memref<32xi32, #tpu.memory_space<vmem>>) semaphore(%arg11 : memref<!tpu.dma_semaphore, #tpu.memory_space<semaphore_mem>>)
    %dma_wait3A = arith.constant 0 : i32
    %dma_wait3A_5 = arith.constant 0 : i32
    %dma_wait3A_6 = tpu.memref_slice %arg2[%dma_wait3A, %dma_wait3A_5] : memref<100000x64xf32, #tpu.memory_space<hbm>> -> memref<100000x64xf32, #tpu.memory_space<hbm>>
    tpu.wait_indirect_dma semaphore(%arg11 : memref<!tpu.dma_semaphore, #tpu.memory_space<semaphore_mem>>) src(%dma_wait3A_6 : memref<100000x64xf32, #tpu.memory_space<hbm>>) dst(%arg8 : memref<32x64xf32, #tpu.memory_space<vmem>>)
    %dma_start3A_7 = arith.constant 0 : i32
    %dma_start3A_8 = tpu.memref_slice %arg3[%dma_start3A_7] : memref<100000xi32, #tpu.memory_space<hbm>> -> memref<100000xi32, #tpu.memory_space<hbm>>
    tpu.enqueue_indirect_dma source(%dma_start3A_8 : memref<100000xi32, #tpu.memory_space<hbm>>) target(%arg9 : memref<32xi32, #tpu.memory_space<vmem>>) offsets(%arg7 : memref<32xi32, #tpu.memory_space<vmem>>) semaphore(%arg11 : memref<!tpu.dma_semaphore, #tpu.memory_space<semaphore_mem>>)
    %dma_wait3A_9 = arith.constant 0 : i32
    %dma_wait3A_10 = tpu.memref_slice %arg3[%dma_wait3A_9] : memref<100000xi32, #tpu.memory_space<hbm>> -> memref<100000xi32, #tpu.memory_space<hbm>>
    tpu.wait_indirect_dma semaphore(%arg11 : memref<!tpu.dma_semaphore, #tpu.memory_space<semaphore_mem>>) src(%dma_wait3A_10 : memref<100000xi32, #tpu.memory_space<hbm>>) dst(%arg9 : memref<32xi32, #tpu.memory_space<vmem>>)
    "tpu.region"() ({
      %run_scoped3A = tpu.sem_alloc : memref<!tpu.dma_semaphore, #tpu.memory_space<semaphore_mem>>
      %dma_start3A_25 = arith.constant 0 : i32
      %dma_start3A_26 = arith.constant 0 : i32
      %dma_start3A_27 = tpu.memref_slice %arg8[%dma_start3A_25, %dma_start3A_26] : memref<32x64xf32, #tpu.memory_space<vmem>> -> memref<32x32xf32, #tpu.memory_space<vmem>>
      %dma_start3A_28 = arith.constant 0 : i32
      %dma_start3A_29 = tpu.memref_slice %arg5[%mul3A_2, %dma_start3A_28] : memref<1024x32xf32, #tpu.memory_space<hbm>> -> memref<32x32xf32, #tpu.memory_space<hbm>>
      %dma_start3A_30 = arith.constant 0 : i32
      %dma_start3A_31 = tpu.memref_slice %arg5[%mul3A_2, %dma_start3A_30] : memref<1024x32xf32, #tpu.memory_space<hbm>> -> memref<32x32xf32, #tpu.memory_space<hbm>>
      %dma_start3A_32 = arith.constant 0 : i32
      %dma_start3A_33 = arith.constant 0 : i32
      %dma_start3A_34 = tpu.memref_slice %arg8[%dma_start3A_32, %dma_start3A_33] : memref<32x64xf32, #tpu.memory_space<vmem>> -> memref<32x32xf32, #tpu.memory_space<vmem>>
      tpu.enqueue_dma source(%dma_start3A_34 : memref<32x32xf32, #tpu.memory_space<vmem>>) target(%dma_start3A_31 : memref<32x32xf32, #tpu.memory_space<hbm>>) target_semaphore(%run_scoped3A : memref<!tpu.dma_semaphore, #tpu.memory_space<semaphore_mem>>)
      %dma_wait3A_35 = arith.constant 0 : i32
      %dma_wait3A_36 = arith.constant 0 : i32
      %dma_wait3A_37 = tpu.memref_slice %arg8[%dma_wait3A_35, %dma_wait3A_36] : memref<32x64xf32, #tpu.memory_space<vmem>> -> memref<32x32xf32, #tpu.memory_space<vmem>>
      %dma_wait3A_38 = arith.constant 0 : i32
      %dma_wait3A_39 = tpu.memref_slice %arg5[%mul3A_2, %dma_wait3A_38] : memref<1024x32xf32, #tpu.memory_space<hbm>> -> memref<32x32xf32, #tpu.memory_space<hbm>>
      %dma_wait3A_40 = arith.constant 0 : i32
      %dma_wait3A_41 = tpu.memref_slice %arg5[%mul3A_2, %dma_wait3A_40] : memref<1024x32xf32, #tpu.memory_space<hbm>> -> memref<32x32xf32, #tpu.memory_space<hbm>>
      %dma_wait3A_42 = arith.constant 0 : i32
      %dma_wait3A_43 = arith.constant 0 : i32
      %dma_wait3A_44 = tpu.memref_slice %arg8[%dma_wait3A_42, %dma_wait3A_43] : memref<32x64xf32, #tpu.memory_space<vmem>> -> memref<32x32xf32, #tpu.memory_space<vmem>>
      tpu.wait_dma2 semaphore(%run_scoped3A : memref<!tpu.dma_semaphore, #tpu.memory_space<semaphore_mem>>) src(%dma_wait3A_44 : memref<32x32xf32, #tpu.memory_space<vmem>>) dst(%dma_wait3A_41 : memref<32x32xf32, #tpu.memory_space<hbm>>)
      tpu.yield
    }) : () -> ()
    %broadcast_in_dim3A = arith.constant 0.000000e+00 : f32
    %broadcast_in_dim3A_11 = vector.broadcast %broadcast_in_dim3A : f32 to vector<16xf32>
    %get3A = arith.constant 0 : index
    %get3A_12 = tpu.vector_load %arg9[%get3A] {strides = array<i32>} : memref<32xi32, #tpu.memory_space<vmem>>, vector<16xi32>,
    %get3A_13 = vector.shape_cast %get3A_12 : vector<16xi32> to vector<16xi32>
    %convert_element_type3A = arith.sitofp %get3A_13 : vector<16xi32> to vector<16xf32>
    %add3A_14 = arith.addf %broadcast_in_dim3A_11, %convert_element_type3A : vector<16xf32>
    %get3A_15 = arith.constant 16 : index
    %get3A_16 = tpu.vector_load %arg9[%get3A_15] {strides = array<i32>} : memref<32xi32, #tpu.memory_space<vmem>>, vector<16xi32>,
    %get3A_17 = vector.shape_cast %get3A_16 : vector<16xi32> to vector<16xi32>
    %convert_element_type3A_18 = arith.sitofp %get3A_17 : vector<16xi32> to vector<16xf32>
    %add3A_19 = arith.addf %add3A_14, %convert_element_type3A_18 : vector<16xf32>
    %swap3A = arith.constant 0 : i32
    %swap3A_20 = arith.index_cast %swap3A : i32 to index
    %swap3A_21 = arith.constant 0 : index
    %swap3A_22 = tpu.vector_load %arg10[%swap3A_20, %swap3A_21] {strides = array<i32>} : memref<1x16xf32, #tpu.memory_space<vmem>>, vector<1x16xf32>,
    %swap3A_23 = vector.shape_cast %swap3A_22 : vector<1x16xf32> to vector<16xf32>
    %swap3A_24 = vector.shape_cast %add3A_19 : vector<16xf32> to vector<1x16xf32>
    tpu.vector_store %arg10[%swap3A_20, %swap3A_21], %swap3A_24 {strides = array<i32>} : memref<1x16xf32, #tpu.memory_space<vmem>>, vector<1x16xf32>,
    "tpu.region"() ({
      %run_scoped3A = tpu.sem_alloc : memref<!tpu.dma_semaphore, #tpu.memory_space<semaphore_mem>>
      %dma_start3A_25 = arith.constant 0 : i32
      %dma_start3A_26 = tpu.memref_slice %arg6[%add3A, %dma_start3A_25] : memref<32x16xf32, #tpu.memory_space<hbm>> -> memref<1x16xf32, #tpu.memory_space<hbm>>
      %dma_start3A_27 = arith.constant 0 : i32
      %dma_start3A_28 = tpu.memref_slice %arg6[%add3A, %dma_start3A_27] : memref<32x16xf32, #tpu.memory_space<hbm>> -> memref<1x16xf32, #tpu.memory_space<hbm>>
      tpu.enqueue_dma source(%arg10 : memref<1x16xf32, #tpu.memory_space<vmem>>) target(%dma_start3A_28 : memref<1x16xf32, #tpu.memory_space<hbm>>) target_semaphore(%run_scoped3A : memref<!tpu.dma_semaphore, #tpu.memory_space<semaphore_mem>>)
      %dma_wait3A_29 = arith.constant 0 : i32
      %dma_wait3A_30 = tpu.memref_slice %arg6[%add3A, %dma_wait3A_29] : memref<32x16xf32, #tpu.memory_space<hbm>> -> memref<1x16xf32, #tpu.memory_space<hbm>>
      %dma_wait3A_31 = arith.constant 0 : i32
      %dma_wait3A_32 = tpu.memref_slice %arg6[%add3A, %dma_wait3A_31] : memref<32x16xf32, #tpu.memory_space<hbm>> -> memref<1x16xf32, #tpu.memory_space<hbm>>
      tpu.wait_dma2 semaphore(%run_scoped3A : memref<!tpu.dma_semaphore, #tpu.memory_space<semaphore_mem>>) src(%arg10 : memref<1x16xf32, #tpu.memory_space<vmem>>) dst(%dma_wait3A_32 : memref<1x16xf32, #tpu.memory_space<hbm>>)
      tpu.yield
    }) : () -> ()
    return
  }
}

module attributes {stable_mosaic.version = 14 : i64} {
  func.func @_argmax_body(%arg0: i32, %arg1: i32, %arg2: memref<1024x32xf32, #tpu.memory_space<vmem>>, %arg3: memref<10000x64xf32, #tpu.memory_space<vmem>>, %arg4: memref<1024x1xi32, #tpu.memory_space<vmem>>, %arg5: memref<1024x1xf32, #tpu.memory_space<vmem>>, %arg6: memref<8x128xf32, #tpu.memory_space<vmem>>, %arg7: memref<1024x1xf32, #tpu.memory_space<vmem>>, %arg8: memref<1024x1xi32, #tpu.memory_space<vmem>>, %arg9: memref<10000x32xf32, #tpu.memory_space<vmem>>) attributes {dimension_semantics = [#tpu.dimension_semantics<arbitrary>, #tpu.dimension_semantics<arbitrary>], iteration_bounds = array<i64: 10, 1>, scalar_prefetch = 0 : i64, scratch_operands = 3 : i64, tpu.core_type = #tpu.core_type<tc>, window_params = [{transform_indices = @transform_0, window_bounds = array<i64: 1024, 32>}, {transform_indices = @transform_1, window_bounds = array<i64: 10000, 64>}, {pipeline_mode = #tpu.pipeline_mode<synchronous>, transform_indices = @transform_2, window_bounds = array<i64: 1024, 1>}, {pipeline_mode = #tpu.pipeline_mode<synchronous>, transform_indices = @transform_3, window_bounds = array<i64: 1024, 1>}, {pipeline_mode = #tpu.pipeline_mode<synchronous>, transform_indices = @transform_4, window_bounds = array<i64: 8, 128>}]} {
    %get3A = arith.constant 0 : index
    %get3A_0 = arith.constant 0 : index
    %get3A_1 = vector.load %arg2[%get3A, %get3A_0] : memref<1024x32xf32, #tpu.memory_space<vmem>>, vector<1024x32xf32>
    %mul3A = arith.mulf %get3A_1, %get3A_1 : vector<1024x32xf32>
    %reduce_sum3A = arith.constant dense<0.000000e+00> : vector<1024xf32>
    %reduce_sum3A_2 = vector.multi_reduction <add>, %mul3A, %reduce_sum3A [1] : vector<1024x32xf32> to vector<1024xf32>
    %broadcast_in_dim3A = vector.shape_cast %reduce_sum3A_2 : vector<1024xf32> to vector<1024x1xf32>
    %sqrt3A = math.sqrt %broadcast_in_dim3A : vector<1024x1xf32>
    %max3A = arith.constant 9.99999996E-13 : f32
    %max3A_3 = vector.broadcast %max3A : f32 to vector<1024x1xf32>
    %max3A_4 = arith.maximumf %sqrt3A, %max3A_3 : vector<1024x1xf32>
    %div3A = vector.broadcast %max3A_4 : vector<1024x1xf32> to vector<1024x32xf32>
    %div3A_5 = arith.divf %get3A_1, %div3A : vector<1024x32xf32>
    %eq3A = arith.constant 0 : i32
    %eq3A_6 = arith.cmpi eq, %arg1, %eq3A : i32
    %convert_element_type3A = arith.extui %eq3A_6 : i1 to i32
    %cond3A = arith.constant 0 : i32
    %cond3A_7 = arith.cmpi ne, %convert_element_type3A, %cond3A : i32
    scf.if %cond3A_7 {
      %get3A_533 = arith.constant 0 : index
      %get3A_534 = arith.constant 0 : index
      %get3A_535 = vector.load %arg3[%get3A_533, %get3A_534] : memref<10000x64xf32, #tpu.memory_space<vmem>>, vector<10000x32xf32>
      %mul3A_536 = arith.mulf %get3A_535, %get3A_535 : vector<10000x32xf32>
      %reduce_sum3A_537 = arith.constant dense<0.000000e+00> : vector<10000xf32>
      %reduce_sum3A_538 = vector.multi_reduction <add>, %mul3A_536, %reduce_sum3A_537 [1] : vector<10000x32xf32> to vector<10000xf32>
      %broadcast_in_dim3A_539 = vector.shape_cast %reduce_sum3A_538 : vector<10000xf32> to vector<10000x1xf32>
      %sqrt3A_540 = math.sqrt %broadcast_in_dim3A_539 : vector<10000x1xf32>
      %max3A_541 = arith.constant 9.99999996E-13 : f32
      %max3A_542 = vector.broadcast %max3A_541 : f32 to vector<10000x1xf32>
      %max3A_543 = arith.maximumf %sqrt3A_540, %max3A_542 : vector<10000x1xf32>
      %div3A_544 = vector.broadcast %max3A_543 : vector<10000x1xf32> to vector<10000x32xf32>
      %div3A_545 = arith.divf %get3A_535, %div3A_544 : vector<10000x32xf32>
      %swap3A_546 = arith.constant 0 : index
      %swap3A_547 = arith.constant 0 : index
      %swap3A_548 = vector.load %arg9[%swap3A_546, %swap3A_547] : memref<10000x32xf32, #tpu.memory_space<vmem>>, vector<10000x32xf32>
      tpu.vector_store %arg9[%swap3A_546, %swap3A_547], %div3A_545 {strides = array<i32>} : memref<10000x32xf32, #tpu.memory_space<vmem>>, vector<10000x32xf32>,
    } else {
    }
    %get3A_8 = arith.constant 0 : index
    %get3A_9 = arith.constant 0 : index
    %get3A_10 = vector.load %arg9[%get3A_8, %get3A_9] : memref<10000x32xf32, #tpu.memory_space<vmem>>, vector<10000x32xf32>
    %dot_general3A = arith.constant dense<0.000000e+00> : vector<1024x10000xf32>
    %dot_general3A_11 = tpu.matmul %div3A_5, %get3A_10, %dot_general3A {dimension_numbers = #tpu.dot_dimension_numbers<[1], [1], [0], [0], [0, 0, 1, 0], [], []>, transpose_lhs_hint = false} : vector<1024x32xf32>, vector<10000x32xf32>, vector<1024x10000xf32> -> vector<1024x10000xf32>
    %slice3A = vector.extract_strided_slice %dot_general3A_11 {offsets = [0, 0], sizes = [1024, 128], strides = [1, 1]} : vector<1024x10000xf32> to vector<1024x128xf32>
    %broadcast_in_dim3A_12 = arith.constant 0 : i32
    %broadcast_in_dim3A_13 = vector.broadcast %broadcast_in_dim3A_12 : i32 to vector<1024x128xi32>
    %slice3A_14 = vector.extract_strided_slice %dot_general3A_11 {offsets = [0, 128], sizes = [1024, 128], strides = [1, 1]} : vector<1024x10000xf32> to vector<1024x128xf32>
    %gt3A = arith.cmpf ogt, %slice3A_14, %slice3A : vector<1024x128xf32>
    %select_n3A = arith.select %gt3A, %slice3A_14, %slice3A : vector<1024x128xi1>, vector<1024x128xf32>
    %jit3A = arith.constant 1 : i32
    %broadcast_in_dim3A_15 = vector.broadcast %jit3A : i32 to vector<1024x128xi32>
    %select_n3A_16 = arith.select %gt3A, %broadcast_in_dim3A_15, %broadcast_in_dim3A_13 : vector<1024x128xi1>, vector<1024x128xi32>
    %slice3A_17 = vector.extract_strided_slice %dot_general3A_11 {offsets = [0, 256], sizes = [1024, 128], strides = [1, 1]} : vector<1024x10000xf32> to vector<1024x128xf32>
    %gt3A_18 = arith.cmpf ogt, %slice3A_17, %select_n3A : vector<1024x128xf32>
    %select_n3A_19 = arith.select %gt3A_18, %slice3A_17, %select_n3A : vector<1024x128xi1>, vector<1024x128xf32>
    %jit3A_20 = arith.constant 2 : i32
    %broadcast_in_dim3A_21 = vector.broadcast %jit3A_20 : i32 to vector<1024x128xi32>
    %select_n3A_22 = arith.select %gt3A_18, %broadcast_in_dim3A_21, %select_n3A_16 : vector<1024x128xi1>, vector<1024x128xi32>
    %slice3A_23 = vector.extract_strided_slice %dot_general3A_11 {offsets = [0, 384], sizes = [1024, 128], strides = [1, 1]} : vector<1024x10000xf32> to vector<1024x128xf32>
    %gt3A_24 = arith.cmpf ogt, %slice3A_23, %select_n3A_19 : vector<1024x128xf32>
    %select_n3A_25 = arith.select %gt3A_24, %slice3A_23, %select_n3A_19 : vector<1024x128xi1>, vector<1024x128xf32>
    %jit3A_26 = arith.constant 3 : i32
    %broadcast_in_dim3A_27 = vector.broadcast %jit3A_26 : i32 to vector<1024x128xi32>
    %select_n3A_28 = arith.select %gt3A_24, %broadcast_in_dim3A_27, %select_n3A_22 : vector<1024x128xi1>, vector<1024x128xi32>
    %slice3A_29 = vector.extract_strided_slice %dot_general3A_11 {offsets = [0, 512], sizes = [1024, 128], strides = [1, 1]} : vector<1024x10000xf32> to vector<1024x128xf32>
    %gt3A_30 = arith.cmpf ogt, %slice3A_29, %select_n3A_25 : vector<1024x128xf32>
    %select_n3A_31 = arith.select %gt3A_30, %slice3A_29, %select_n3A_25 : vector<1024x128xi1>, vector<1024x128xf32>
    %jit3A_32 = arith.constant 4 : i32
    %broadcast_in_dim3A_33 = vector.broadcast %jit3A_32 : i32 to vector<1024x128xi32>
    %select_n3A_34 = arith.select %gt3A_30, %broadcast_in_dim3A_33, %select_n3A_28 : vector<1024x128xi1>, vector<1024x128xi32>
    %slice3A_35 = vector.extract_strided_slice %dot_general3A_11 {offsets = [0, 640], sizes = [1024, 128], strides = [1, 1]} : vector<1024x10000xf32> to vector<1024x128xf32>
    %gt3A_36 = arith.cmpf ogt, %slice3A_35, %select_n3A_31 : vector<1024x128xf32>
    %select_n3A_37 = arith.select %gt3A_36, %slice3A_35, %select_n3A_31 : vector<1024x128xi1>, vector<1024x128xf32>
    %jit3A_38 = arith.constant 5 : i32
    %broadcast_in_dim3A_39 = vector.broadcast %jit3A_38 : i32 to vector<1024x128xi32>
    %select_n3A_40 = arith.select %gt3A_36, %broadcast_in_dim3A_39, %select_n3A_34 : vector<1024x128xi1>, vector<1024x128xi32>
    %slice3A_41 = vector.extract_strided_slice %dot_general3A_11 {offsets = [0, 768], sizes = [1024, 128], strides = [1, 1]} : vector<1024x10000xf32> to vector<1024x128xf32>
    %gt3A_42 = arith.cmpf ogt, %slice3A_41, %select_n3A_37 : vector<1024x128xf32>
    %select_n3A_43 = arith.select %gt3A_42, %slice3A_41, %select_n3A_37 : vector<1024x128xi1>, vector<1024x128xf32>
    %jit3A_44 = arith.constant 6 : i32
    %broadcast_in_dim3A_45 = vector.broadcast %jit3A_44 : i32 to vector<1024x128xi32>
    %select_n3A_46 = arith.select %gt3A_42, %broadcast_in_dim3A_45, %select_n3A_40 : vector<1024x128xi1>, vector<1024x128xi32>
    %slice3A_47 = vector.extract_strided_slice %dot_general3A_11 {offsets = [0, 896], sizes = [1024, 128], strides = [1, 1]} : vector<1024x10000xf32> to vector<1024x128xf32>
    %gt3A_48 = arith.cmpf ogt, %slice3A_47, %select_n3A_43 : vector<1024x128xf32>
    %select_n3A_49 = arith.select %gt3A_48, %slice3A_47, %select_n3A_43 : vector<1024x128xi1>, vector<1024x128xf32>
    %jit3A_50 = arith.constant 7 : i32
    %broadcast_in_dim3A_51 = vector.broadcast %jit3A_50 : i32 to vector<1024x128xi32>
    %select_n3A_52 = arith.select %gt3A_48, %broadcast_in_dim3A_51, %select_n3A_46 : vector<1024x128xi1>, vector<1024x128xi32>
    %slice3A_53 = vector.extract_strided_slice %dot_general3A_11 {offsets = [0, 1024], sizes = [1024, 128], strides = [1, 1]} : vector<1024x10000xf32> to vector<1024x128xf32>
    %gt3A_54 = arith.cmpf ogt, %slice3A_53, %select_n3A_49 : vector<1024x128xf32>
    %select_n3A_55 = arith.select %gt3A_54, %slice3A_53, %select_n3A_49 : vector<1024x128xi1>, vector<1024x128xf32>
    %jit3A_56 = arith.constant 8 : i32
    %broadcast_in_dim3A_57 = vector.broadcast %jit3A_56 : i32 to vector<1024x128xi32>
    %select_n3A_58 = arith.select %gt3A_54, %broadcast_in_dim3A_57, %select_n3A_52 : vector<1024x128xi1>, vector<1024x128xi32>
    %slice3A_59 = vector.extract_strided_slice %dot_general3A_11 {offsets = [0, 1152], sizes = [1024, 128], strides = [1, 1]} : vector<1024x10000xf32> to vector<1024x128xf32>
    %gt3A_60 = arith.cmpf ogt, %slice3A_59, %select_n3A_55 : vector<1024x128xf32>
    %select_n3A_61 = arith.select %gt3A_60, %slice3A_59, %select_n3A_55 : vector<1024x128xi1>, vector<1024x128xf32>
    %jit3A_62 = arith.constant 9 : i32
    %broadcast_in_dim3A_63 = vector.broadcast %jit3A_62 : i32 to vector<1024x128xi32>
    %select_n3A_64 = arith.select %gt3A_60, %broadcast_in_dim3A_63, %select_n3A_58 : vector<1024x128xi1>, vector<1024x128xi32>
    %slice3A_65 = vector.extract_strided_slice %dot_general3A_11 {offsets = [0, 1280], sizes = [1024, 128], strides = [1, 1]} : vector<1024x10000xf32> to vector<1024x128xf32>
    %gt3A_66 = arith.cmpf ogt, %slice3A_65, %select_n3A_61 : vector<1024x128xf32>
    %select_n3A_67 = arith.select %gt3A_66, %slice3A_65, %select_n3A_61 : vector<1024x128xi1>, vector<1024x128xf32>
    %jit3A_68 = arith.constant 10 : i32
    %broadcast_in_dim3A_69 = vector.broadcast %jit3A_68 : i32 to vector<1024x128xi32>
    %select_n3A_70 = arith.select %gt3A_66, %broadcast_in_dim3A_69, %select_n3A_64 : vector<1024x128xi1>, vector<1024x128xi32>
    %slice3A_71 = vector.extract_strided_slice %dot_general3A_11 {offsets = [0, 1408], sizes = [1024, 128], strides = [1, 1]} : vector<1024x10000xf32> to vector<1024x128xf32>
    %gt3A_72 = arith.cmpf ogt, %slice3A_71, %select_n3A_67 : vector<1024x128xf32>
    %select_n3A_73 = arith.select %gt3A_72, %slice3A_71, %select_n3A_67 : vector<1024x128xi1>, vector<1024x128xf32>
    %jit3A_74 = arith.constant 11 : i32
    %broadcast_in_dim3A_75 = vector.broadcast %jit3A_74 : i32 to vector<1024x128xi32>
    %select_n3A_76 = arith.select %gt3A_72, %broadcast_in_dim3A_75, %select_n3A_70 : vector<1024x128xi1>, vector<1024x128xi32>
    %slice3A_77 = vector.extract_strided_slice %dot_general3A_11 {offsets = [0, 1536], sizes = [1024, 128], strides = [1, 1]} : vector<1024x10000xf32> to vector<1024x128xf32>
    %gt3A_78 = arith.cmpf ogt, %slice3A_77, %select_n3A_73 : vector<1024x128xf32>
    %select_n3A_79 = arith.select %gt3A_78, %slice3A_77, %select_n3A_73 : vector<1024x128xi1>, vector<1024x128xf32>
    %jit3A_80 = arith.constant 12 : i32
    %broadcast_in_dim3A_81 = vector.broadcast %jit3A_80 : i32 to vector<1024x128xi32>
    %select_n3A_82 = arith.select %gt3A_78, %broadcast_in_dim3A_81, %select_n3A_76 : vector<1024x128xi1>, vector<1024x128xi32>
    %slice3A_83 = vector.extract_strided_slice %dot_general3A_11 {offsets = [0, 1664], sizes = [1024, 128], strides = [1, 1]} : vector<1024x10000xf32> to vector<1024x128xf32>
    %gt3A_84 = arith.cmpf ogt, %slice3A_83, %select_n3A_79 : vector<1024x128xf32>
    %select_n3A_85 = arith.select %gt3A_84, %slice3A_83, %select_n3A_79 : vector<1024x128xi1>, vector<1024x128xf32>
    %jit3A_86 = arith.constant 13 : i32
    %broadcast_in_dim3A_87 = vector.broadcast %jit3A_86 : i32 to vector<1024x128xi32>
    %select_n3A_88 = arith.select %gt3A_84, %broadcast_in_dim3A_87, %select_n3A_82 : vector<1024x128xi1>, vector<1024x128xi32>
    %slice3A_89 = vector.extract_strided_slice %dot_general3A_11 {offsets = [0, 1792], sizes = [1024, 128], strides = [1, 1]} : vector<1024x10000xf32> to vector<1024x128xf32>
    %gt3A_90 = arith.cmpf ogt, %slice3A_89, %select_n3A_85 : vector<1024x128xf32>
    %select_n3A_91 = arith.select %gt3A_90, %slice3A_89, %select_n3A_85 : vector<1024x128xi1>, vector<1024x128xf32>
    %jit3A_92 = arith.constant 14 : i32
    %broadcast_in_dim3A_93 = vector.broadcast %jit3A_92 : i32 to vector<1024x128xi32>
    %select_n3A_94 = arith.select %gt3A_90, %broadcast_in_dim3A_93, %select_n3A_88 : vector<1024x128xi1>, vector<1024x128xi32>
    %slice3A_95 = vector.extract_strided_slice %dot_general3A_11 {offsets = [0, 1920], sizes = [1024, 128], strides = [1, 1]} : vector<1024x10000xf32> to vector<1024x128xf32>
    %gt3A_96 = arith.cmpf ogt, %slice3A_95, %select_n3A_91 : vector<1024x128xf32>
    %select_n3A_97 = arith.select %gt3A_96, %slice3A_95, %select_n3A_91 : vector<1024x128xi1>, vector<1024x128xf32>
    %jit3A_98 = arith.constant 15 : i32
    %broadcast_in_dim3A_99 = vector.broadcast %jit3A_98 : i32 to vector<1024x128xi32>
    %select_n3A_100 = arith.select %gt3A_96, %broadcast_in_dim3A_99, %select_n3A_94 : vector<1024x128xi1>, vector<1024x128xi32>
    %slice3A_101 = vector.extract_strided_slice %dot_general3A_11 {offsets = [0, 2048], sizes = [1024, 128], strides = [1, 1]} : vector<1024x10000xf32> to vector<1024x128xf32>
    %gt3A_102 = arith.cmpf ogt, %slice3A_101, %select_n3A_97 : vector<1024x128xf32>
    %select_n3A_103 = arith.select %gt3A_102, %slice3A_101, %select_n3A_97 : vector<1024x128xi1>, vector<1024x128xf32>
    %jit3A_104 = arith.constant 16 : i32
    %broadcast_in_dim3A_105 = vector.broadcast %jit3A_104 : i32 to vector<1024x128xi32>
    %select_n3A_106 = arith.select %gt3A_102, %broadcast_in_dim3A_105, %select_n3A_100 : vector<1024x128xi1>, vector<1024x128xi32>
    %slice3A_107 = vector.extract_strided_slice %dot_general3A_11 {offsets = [0, 2176], sizes = [1024, 128], strides = [1, 1]} : vector<1024x10000xf32> to vector<1024x128xf32>
    %gt3A_108 = arith.cmpf ogt, %slice3A_107, %select_n3A_103 : vector<1024x128xf32>
    %select_n3A_109 = arith.select %gt3A_108, %slice3A_107, %select_n3A_103 : vector<1024x128xi1>, vector<1024x128xf32>
    %jit3A_110 = arith.constant 17 : i32
    %broadcast_in_dim3A_111 = vector.broadcast %jit3A_110 : i32 to vector<1024x128xi32>
    %select_n3A_112 = arith.select %gt3A_108, %broadcast_in_dim3A_111, %select_n3A_106 : vector<1024x128xi1>, vector<1024x128xi32>
    %slice3A_113 = vector.extract_strided_slice %dot_general3A_11 {offsets = [0, 2304], sizes = [1024, 128], strides = [1, 1]} : vector<1024x10000xf32> to vector<1024x128xf32>
    %gt3A_114 = arith.cmpf ogt, %slice3A_113, %select_n3A_109 : vector<1024x128xf32>
    %select_n3A_115 = arith.select %gt3A_114, %slice3A_113, %select_n3A_109 : vector<1024x128xi1>, vector<1024x128xf32>
    %jit3A_116 = arith.constant 18 : i32
    %broadcast_in_dim3A_117 = vector.broadcast %jit3A_116 : i32 to vector<1024x128xi32>
    %select_n3A_118 = arith.select %gt3A_114, %broadcast_in_dim3A_117, %select_n3A_112 : vector<1024x128xi1>, vector<1024x128xi32>
    %slice3A_119 = vector.extract_strided_slice %dot_general3A_11 {offsets = [0, 2432], sizes = [1024, 128], strides = [1, 1]} : vector<1024x10000xf32> to vector<1024x128xf32>
    %gt3A_120 = arith.cmpf ogt, %slice3A_119, %select_n3A_115 : vector<1024x128xf32>
    %select_n3A_121 = arith.select %gt3A_120, %slice3A_119, %select_n3A_115 : vector<1024x128xi1>, vector<1024x128xf32>
    %jit3A_122 = arith.constant 19 : i32
    %broadcast_in_dim3A_123 = vector.broadcast %jit3A_122 : i32 to vector<1024x128xi32>
    %select_n3A_124 = arith.select %gt3A_120, %broadcast_in_dim3A_123, %select_n3A_118 : vector<1024x128xi1>, vector<1024x128xi32>
    %slice3A_125 = vector.extract_strided_slice %dot_general3A_11 {offsets = [0, 2560], sizes = [1024, 128], strides = [1, 1]} : vector<1024x10000xf32> to vector<1024x128xf32>
    %gt3A_126 = arith.cmpf ogt, %slice3A_125, %select_n3A_121 : vector<1024x128xf32>
    %select_n3A_127 = arith.select %gt3A_126, %slice3A_125, %select_n3A_121 : vector<1024x128xi1>, vector<1024x128xf32>
    %jit3A_128 = arith.constant 20 : i32
    %broadcast_in_dim3A_129 = vector.broadcast %jit3A_128 : i32 to vector<1024x128xi32>
    %select_n3A_130 = arith.select %gt3A_126, %broadcast_in_dim3A_129, %select_n3A_124 : vector<1024x128xi1>, vector<1024x128xi32>
    %slice3A_131 = vector.extract_strided_slice %dot_general3A_11 {offsets = [0, 2688], sizes = [1024, 128], strides = [1, 1]} : vector<1024x10000xf32> to vector<1024x128xf32>
    %gt3A_132 = arith.cmpf ogt, %slice3A_131, %select_n3A_127 : vector<1024x128xf32>
    %select_n3A_133 = arith.select %gt3A_132, %slice3A_131, %select_n3A_127 : vector<1024x128xi1>, vector<1024x128xf32>
    %jit3A_134 = arith.constant 21 : i32
    %broadcast_in_dim3A_135 = vector.broadcast %jit3A_134 : i32 to vector<1024x128xi32>
    %select_n3A_136 = arith.select %gt3A_132, %broadcast_in_dim3A_135, %select_n3A_130 : vector<1024x128xi1>, vector<1024x128xi32>
    %slice3A_137 = vector.extract_strided_slice %dot_general3A_11 {offsets = [0, 2816], sizes = [1024, 128], strides = [1, 1]} : vector<1024x10000xf32> to vector<1024x128xf32>
    %gt3A_138 = arith.cmpf ogt, %slice3A_137, %select_n3A_133 : vector<1024x128xf32>
    %select_n3A_139 = arith.select %gt3A_138, %slice3A_137, %select_n3A_133 : vector<1024x128xi1>, vector<1024x128xf32>
    %jit3A_140 = arith.constant 22 : i32
    %broadcast_in_dim3A_141 = vector.broadcast %jit3A_140 : i32 to vector<1024x128xi32>
    %select_n3A_142 = arith.select %gt3A_138, %broadcast_in_dim3A_141, %select_n3A_136 : vector<1024x128xi1>, vector<1024x128xi32>
    %slice3A_143 = vector.extract_strided_slice %dot_general3A_11 {offsets = [0, 2944], sizes = [1024, 128], strides = [1, 1]} : vector<1024x10000xf32> to vector<1024x128xf32>
    %gt3A_144 = arith.cmpf ogt, %slice3A_143, %select_n3A_139 : vector<1024x128xf32>
    %select_n3A_145 = arith.select %gt3A_144, %slice3A_143, %select_n3A_139 : vector<1024x128xi1>, vector<1024x128xf32>
    %jit3A_146 = arith.constant 23 : i32
    %broadcast_in_dim3A_147 = vector.broadcast %jit3A_146 : i32 to vector<1024x128xi32>
    %select_n3A_148 = arith.select %gt3A_144, %broadcast_in_dim3A_147, %select_n3A_142 : vector<1024x128xi1>, vector<1024x128xi32>
    %slice3A_149 = vector.extract_strided_slice %dot_general3A_11 {offsets = [0, 3072], sizes = [1024, 128], strides = [1, 1]} : vector<1024x10000xf32> to vector<1024x128xf32>
    %gt3A_150 = arith.cmpf ogt, %slice3A_149, %select_n3A_145 : vector<1024x128xf32>
    %select_n3A_151 = arith.select %gt3A_150, %slice3A_149, %select_n3A_145 : vector<1024x128xi1>, vector<1024x128xf32>
    %jit3A_152 = arith.constant 24 : i32
    %broadcast_in_dim3A_153 = vector.broadcast %jit3A_152 : i32 to vector<1024x128xi32>
    %select_n3A_154 = arith.select %gt3A_150, %broadcast_in_dim3A_153, %select_n3A_148 : vector<1024x128xi1>, vector<1024x128xi32>
    %slice3A_155 = vector.extract_strided_slice %dot_general3A_11 {offsets = [0, 3200], sizes = [1024, 128], strides = [1, 1]} : vector<1024x10000xf32> to vector<1024x128xf32>
    %gt3A_156 = arith.cmpf ogt, %slice3A_155, %select_n3A_151 : vector<1024x128xf32>
    %select_n3A_157 = arith.select %gt3A_156, %slice3A_155, %select_n3A_151 : vector<1024x128xi1>, vector<1024x128xf32>
    %jit3A_158 = arith.constant 25 : i32
    %broadcast_in_dim3A_159 = vector.broadcast %jit3A_158 : i32 to vector<1024x128xi32>
    %select_n3A_160 = arith.select %gt3A_156, %broadcast_in_dim3A_159, %select_n3A_154 : vector<1024x128xi1>, vector<1024x128xi32>
    %slice3A_161 = vector.extract_strided_slice %dot_general3A_11 {offsets = [0, 3328], sizes = [1024, 128], strides = [1, 1]} : vector<1024x10000xf32> to vector<1024x128xf32>
    %gt3A_162 = arith.cmpf ogt, %slice3A_161, %select_n3A_157 : vector<1024x128xf32>
    %select_n3A_163 = arith.select %gt3A_162, %slice3A_161, %select_n3A_157 : vector<1024x128xi1>, vector<1024x128xf32>
    %jit3A_164 = arith.constant 26 : i32
    %broadcast_in_dim3A_165 = vector.broadcast %jit3A_164 : i32 to vector<1024x128xi32>
    %select_n3A_166 = arith.select %gt3A_162, %broadcast_in_dim3A_165, %select_n3A_160 : vector<1024x128xi1>, vector<1024x128xi32>
    %slice3A_167 = vector.extract_strided_slice %dot_general3A_11 {offsets = [0, 3456], sizes = [1024, 128], strides = [1, 1]} : vector<1024x10000xf32> to vector<1024x128xf32>
    %gt3A_168 = arith.cmpf ogt, %slice3A_167, %select_n3A_163 : vector<1024x128xf32>
    %select_n3A_169 = arith.select %gt3A_168, %slice3A_167, %select_n3A_163 : vector<1024x128xi1>, vector<1024x128xf32>
    %jit3A_170 = arith.constant 27 : i32
    %broadcast_in_dim3A_171 = vector.broadcast %jit3A_170 : i32 to vector<1024x128xi32>
    %select_n3A_172 = arith.select %gt3A_168, %broadcast_in_dim3A_171, %select_n3A_166 : vector<1024x128xi1>, vector<1024x128xi32>
    %slice3A_173 = vector.extract_strided_slice %dot_general3A_11 {offsets = [0, 3584], sizes = [1024, 128], strides = [1, 1]} : vector<1024x10000xf32> to vector<1024x128xf32>
    %gt3A_174 = arith.cmpf ogt, %slice3A_173, %select_n3A_169 : vector<1024x128xf32>
    %select_n3A_175 = arith.select %gt3A_174, %slice3A_173, %select_n3A_169 : vector<1024x128xi1>, vector<1024x128xf32>
    %jit3A_176 = arith.constant 28 : i32
    %broadcast_in_dim3A_177 = vector.broadcast %jit3A_176 : i32 to vector<1024x128xi32>
    %select_n3A_178 = arith.select %gt3A_174, %broadcast_in_dim3A_177, %select_n3A_172 : vector<1024x128xi1>, vector<1024x128xi32>
    %slice3A_179 = vector.extract_strided_slice %dot_general3A_11 {offsets = [0, 3712], sizes = [1024, 128], strides = [1, 1]} : vector<1024x10000xf32> to vector<1024x128xf32>
    %gt3A_180 = arith.cmpf ogt, %slice3A_179, %select_n3A_175 : vector<1024x128xf32>
    %select_n3A_181 = arith.select %gt3A_180, %slice3A_179, %select_n3A_175 : vector<1024x128xi1>, vector<1024x128xf32>
    %jit3A_182 = arith.constant 29 : i32
    %broadcast_in_dim3A_183 = vector.broadcast %jit3A_182 : i32 to vector<1024x128xi32>
    %select_n3A_184 = arith.select %gt3A_180, %broadcast_in_dim3A_183, %select_n3A_178 : vector<1024x128xi1>, vector<1024x128xi32>
    %slice3A_185 = vector.extract_strided_slice %dot_general3A_11 {offsets = [0, 3840], sizes = [1024, 128], strides = [1, 1]} : vector<1024x10000xf32> to vector<1024x128xf32>
    %gt3A_186 = arith.cmpf ogt, %slice3A_185, %select_n3A_181 : vector<1024x128xf32>
    %select_n3A_187 = arith.select %gt3A_186, %slice3A_185, %select_n3A_181 : vector<1024x128xi1>, vector<1024x128xf32>
    %jit3A_188 = arith.constant 30 : i32
    %broadcast_in_dim3A_189 = vector.broadcast %jit3A_188 : i32 to vector<1024x128xi32>
    %select_n3A_190 = arith.select %gt3A_186, %broadcast_in_dim3A_189, %select_n3A_184 : vector<1024x128xi1>, vector<1024x128xi32>
    %slice3A_191 = vector.extract_strided_slice %dot_general3A_11 {offsets = [0, 3968], sizes = [1024, 128], strides = [1, 1]} : vector<1024x10000xf32> to vector<1024x128xf32>
    %gt3A_192 = arith.cmpf ogt, %slice3A_191, %select_n3A_187 : vector<1024x128xf32>
    %select_n3A_193 = arith.select %gt3A_192, %slice3A_191, %select_n3A_187 : vector<1024x128xi1>, vector<1024x128xf32>
    %jit3A_194 = arith.constant 31 : i32
    %broadcast_in_dim3A_195 = vector.broadcast %jit3A_194 : i32 to vector<1024x128xi32>
    %select_n3A_196 = arith.select %gt3A_192, %broadcast_in_dim3A_195, %select_n3A_190 : vector<1024x128xi1>, vector<1024x128xi32>
    %slice3A_197 = vector.extract_strided_slice %dot_general3A_11 {offsets = [0, 4096], sizes = [1024, 128], strides = [1, 1]} : vector<1024x10000xf32> to vector<1024x128xf32>
    %gt3A_198 = arith.cmpf ogt, %slice3A_197, %select_n3A_193 : vector<1024x128xf32>
    %select_n3A_199 = arith.select %gt3A_198, %slice3A_197, %select_n3A_193 : vector<1024x128xi1>, vector<1024x128xf32>
    %jit3A_200 = arith.constant 32 : i32
    %broadcast_in_dim3A_201 = vector.broadcast %jit3A_200 : i32 to vector<1024x128xi32>
    %select_n3A_202 = arith.select %gt3A_198, %broadcast_in_dim3A_201, %select_n3A_196 : vector<1024x128xi1>, vector<1024x128xi32>
    %slice3A_203 = vector.extract_strided_slice %dot_general3A_11 {offsets = [0, 4224], sizes = [1024, 128], strides = [1, 1]} : vector<1024x10000xf32> to vector<1024x128xf32>
    %gt3A_204 = arith.cmpf ogt, %slice3A_203, %select_n3A_199 : vector<1024x128xf32>
    %select_n3A_205 = arith.select %gt3A_204, %slice3A_203, %select_n3A_199 : vector<1024x128xi1>, vector<1024x128xf32>
    %jit3A_206 = arith.constant 33 : i32
    %broadcast_in_dim3A_207 = vector.broadcast %jit3A_206 : i32 to vector<1024x128xi32>
    %select_n3A_208 = arith.select %gt3A_204, %broadcast_in_dim3A_207, %select_n3A_202 : vector<1024x128xi1>, vector<1024x128xi32>
    %slice3A_209 = vector.extract_strided_slice %dot_general3A_11 {offsets = [0, 4352], sizes = [1024, 128], strides = [1, 1]} : vector<1024x10000xf32> to vector<1024x128xf32>
    %gt3A_210 = arith.cmpf ogt, %slice3A_209, %select_n3A_205 : vector<1024x128xf32>
    %select_n3A_211 = arith.select %gt3A_210, %slice3A_209, %select_n3A_205 : vector<1024x128xi1>, vector<1024x128xf32>
    %jit3A_212 = arith.constant 34 : i32
    %broadcast_in_dim3A_213 = vector.broadcast %jit3A_212 : i32 to vector<1024x128xi32>
    %select_n3A_214 = arith.select %gt3A_210, %broadcast_in_dim3A_213, %select_n3A_208 : vector<1024x128xi1>, vector<1024x128xi32>
    %slice3A_215 = vector.extract_strided_slice %dot_general3A_11 {offsets = [0, 4480], sizes = [1024, 128], strides = [1, 1]} : vector<1024x10000xf32> to vector<1024x128xf32>
    %gt3A_216 = arith.cmpf ogt, %slice3A_215, %select_n3A_211 : vector<1024x128xf32>
    %select_n3A_217 = arith.select %gt3A_216, %slice3A_215, %select_n3A_211 : vector<1024x128xi1>, vector<1024x128xf32>
    %jit3A_218 = arith.constant 35 : i32
    %broadcast_in_dim3A_219 = vector.broadcast %jit3A_218 : i32 to vector<1024x128xi32>
    %select_n3A_220 = arith.select %gt3A_216, %broadcast_in_dim3A_219, %select_n3A_214 : vector<1024x128xi1>, vector<1024x128xi32>
    %slice3A_221 = vector.extract_strided_slice %dot_general3A_11 {offsets = [0, 4608], sizes = [1024, 128], strides = [1, 1]} : vector<1024x10000xf32> to vector<1024x128xf32>
    %gt3A_222 = arith.cmpf ogt, %slice3A_221, %select_n3A_217 : vector<1024x128xf32>
    %select_n3A_223 = arith.select %gt3A_222, %slice3A_221, %select_n3A_217 : vector<1024x128xi1>, vector<1024x128xf32>
    %jit3A_224 = arith.constant 36 : i32
    %broadcast_in_dim3A_225 = vector.broadcast %jit3A_224 : i32 to vector<1024x128xi32>
    %select_n3A_226 = arith.select %gt3A_222, %broadcast_in_dim3A_225, %select_n3A_220 : vector<1024x128xi1>, vector<1024x128xi32>
    %slice3A_227 = vector.extract_strided_slice %dot_general3A_11 {offsets = [0, 4736], sizes = [1024, 128], strides = [1, 1]} : vector<1024x10000xf32> to vector<1024x128xf32>
    %gt3A_228 = arith.cmpf ogt, %slice3A_227, %select_n3A_223 : vector<1024x128xf32>
    %select_n3A_229 = arith.select %gt3A_228, %slice3A_227, %select_n3A_223 : vector<1024x128xi1>, vector<1024x128xf32>
    %jit3A_230 = arith.constant 37 : i32
    %broadcast_in_dim3A_231 = vector.broadcast %jit3A_230 : i32 to vector<1024x128xi32>
    %select_n3A_232 = arith.select %gt3A_228, %broadcast_in_dim3A_231, %select_n3A_226 : vector<1024x128xi1>, vector<1024x128xi32>
    %slice3A_233 = vector.extract_strided_slice %dot_general3A_11 {offsets = [0, 4864], sizes = [1024, 128], strides = [1, 1]} : vector<1024x10000xf32> to vector<1024x128xf32>
    %gt3A_234 = arith.cmpf ogt, %slice3A_233, %select_n3A_229 : vector<1024x128xf32>
    %select_n3A_235 = arith.select %gt3A_234, %slice3A_233, %select_n3A_229 : vector<1024x128xi1>, vector<1024x128xf32>
    %jit3A_236 = arith.constant 38 : i32
    %broadcast_in_dim3A_237 = vector.broadcast %jit3A_236 : i32 to vector<1024x128xi32>
    %select_n3A_238 = arith.select %gt3A_234, %broadcast_in_dim3A_237, %select_n3A_232 : vector<1024x128xi1>, vector<1024x128xi32>
    %slice3A_239 = vector.extract_strided_slice %dot_general3A_11 {offsets = [0, 4992], sizes = [1024, 128], strides = [1, 1]} : vector<1024x10000xf32> to vector<1024x128xf32>
    %gt3A_240 = arith.cmpf ogt, %slice3A_239, %select_n3A_235 : vector<1024x128xf32>
    %select_n3A_241 = arith.select %gt3A_240, %slice3A_239, %select_n3A_235 : vector<1024x128xi1>, vector<1024x128xf32>
    %jit3A_242 = arith.constant 39 : i32
    %broadcast_in_dim3A_243 = vector.broadcast %jit3A_242 : i32 to vector<1024x128xi32>
    %select_n3A_244 = arith.select %gt3A_240, %broadcast_in_dim3A_243, %select_n3A_238 : vector<1024x128xi1>, vector<1024x128xi32>
    %slice3A_245 = vector.extract_strided_slice %dot_general3A_11 {offsets = [0, 5120], sizes = [1024, 128], strides = [1, 1]} : vector<1024x10000xf32> to vector<1024x128xf32>
    %gt3A_246 = arith.cmpf ogt, %slice3A_245, %select_n3A_241 : vector<1024x128xf32>
    %select_n3A_247 = arith.select %gt3A_246, %slice3A_245, %select_n3A_241 : vector<1024x128xi1>, vector<1024x128xf32>
    %jit3A_248 = arith.constant 40 : i32
    %broadcast_in_dim3A_249 = vector.broadcast %jit3A_248 : i32 to vector<1024x128xi32>
    %select_n3A_250 = arith.select %gt3A_246, %broadcast_in_dim3A_249, %select_n3A_244 : vector<1024x128xi1>, vector<1024x128xi32>
    %slice3A_251 = vector.extract_strided_slice %dot_general3A_11 {offsets = [0, 5248], sizes = [1024, 128], strides = [1, 1]} : vector<1024x10000xf32> to vector<1024x128xf32>
    %gt3A_252 = arith.cmpf ogt, %slice3A_251, %select_n3A_247 : vector<1024x128xf32>
    %select_n3A_253 = arith.select %gt3A_252, %slice3A_251, %select_n3A_247 : vector<1024x128xi1>, vector<1024x128xf32>
    %jit3A_254 = arith.constant 41 : i32
    %broadcast_in_dim3A_255 = vector.broadcast %jit3A_254 : i32 to vector<1024x128xi32>
    %select_n3A_256 = arith.select %gt3A_252, %broadcast_in_dim3A_255, %select_n3A_250 : vector<1024x128xi1>, vector<1024x128xi32>
    %slice3A_257 = vector.extract_strided_slice %dot_general3A_11 {offsets = [0, 5376], sizes = [1024, 128], strides = [1, 1]} : vector<1024x10000xf32> to vector<1024x128xf32>
    %gt3A_258 = arith.cmpf ogt, %slice3A_257, %select_n3A_253 : vector<1024x128xf32>
    %select_n3A_259 = arith.select %gt3A_258, %slice3A_257, %select_n3A_253 : vector<1024x128xi1>, vector<1024x128xf32>
    %jit3A_260 = arith.constant 42 : i32
    %broadcast_in_dim3A_261 = vector.broadcast %jit3A_260 : i32 to vector<1024x128xi32>
    %select_n3A_262 = arith.select %gt3A_258, %broadcast_in_dim3A_261, %select_n3A_256 : vector<1024x128xi1>, vector<1024x128xi32>
    %slice3A_263 = vector.extract_strided_slice %dot_general3A_11 {offsets = [0, 5504], sizes = [1024, 128], strides = [1, 1]} : vector<1024x10000xf32> to vector<1024x128xf32>
    %gt3A_264 = arith.cmpf ogt, %slice3A_263, %select_n3A_259 : vector<1024x128xf32>
    %select_n3A_265 = arith.select %gt3A_264, %slice3A_263, %select_n3A_259 : vector<1024x128xi1>, vector<1024x128xf32>
    %jit3A_266 = arith.constant 43 : i32
    %broadcast_in_dim3A_267 = vector.broadcast %jit3A_266 : i32 to vector<1024x128xi32>
    %select_n3A_268 = arith.select %gt3A_264, %broadcast_in_dim3A_267, %select_n3A_262 : vector<1024x128xi1>, vector<1024x128xi32>
    %slice3A_269 = vector.extract_strided_slice %dot_general3A_11 {offsets = [0, 5632], sizes = [1024, 128], strides = [1, 1]} : vector<1024x10000xf32> to vector<1024x128xf32>
    %gt3A_270 = arith.cmpf ogt, %slice3A_269, %select_n3A_265 : vector<1024x128xf32>
    %select_n3A_271 = arith.select %gt3A_270, %slice3A_269, %select_n3A_265 : vector<1024x128xi1>, vector<1024x128xf32>
    %jit3A_272 = arith.constant 44 : i32
    %broadcast_in_dim3A_273 = vector.broadcast %jit3A_272 : i32 to vector<1024x128xi32>
    %select_n3A_274 = arith.select %gt3A_270, %broadcast_in_dim3A_273, %select_n3A_268 : vector<1024x128xi1>, vector<1024x128xi32>
    %slice3A_275 = vector.extract_strided_slice %dot_general3A_11 {offsets = [0, 5760], sizes = [1024, 128], strides = [1, 1]} : vector<1024x10000xf32> to vector<1024x128xf32>
    %gt3A_276 = arith.cmpf ogt, %slice3A_275, %select_n3A_271 : vector<1024x128xf32>
    %select_n3A_277 = arith.select %gt3A_276, %slice3A_275, %select_n3A_271 : vector<1024x128xi1>, vector<1024x128xf32>
    %jit3A_278 = arith.constant 45 : i32
    %broadcast_in_dim3A_279 = vector.broadcast %jit3A_278 : i32 to vector<1024x128xi32>
    %select_n3A_280 = arith.select %gt3A_276, %broadcast_in_dim3A_279, %select_n3A_274 : vector<1024x128xi1>, vector<1024x128xi32>
    %slice3A_281 = vector.extract_strided_slice %dot_general3A_11 {offsets = [0, 5888], sizes = [1024, 128], strides = [1, 1]} : vector<1024x10000xf32> to vector<1024x128xf32>
    %gt3A_282 = arith.cmpf ogt, %slice3A_281, %select_n3A_277 : vector<1024x128xf32>
    %select_n3A_283 = arith.select %gt3A_282, %slice3A_281, %select_n3A_277 : vector<1024x128xi1>, vector<1024x128xf32>
    %jit3A_284 = arith.constant 46 : i32
    %broadcast_in_dim3A_285 = vector.broadcast %jit3A_284 : i32 to vector<1024x128xi32>
    %select_n3A_286 = arith.select %gt3A_282, %broadcast_in_dim3A_285, %select_n3A_280 : vector<1024x128xi1>, vector<1024x128xi32>
    %slice3A_287 = vector.extract_strided_slice %dot_general3A_11 {offsets = [0, 6016], sizes = [1024, 128], strides = [1, 1]} : vector<1024x10000xf32> to vector<1024x128xf32>
    %gt3A_288 = arith.cmpf ogt, %slice3A_287, %select_n3A_283 : vector<1024x128xf32>
    %select_n3A_289 = arith.select %gt3A_288, %slice3A_287, %select_n3A_283 : vector<1024x128xi1>, vector<1024x128xf32>
    %jit3A_290 = arith.constant 47 : i32
    %broadcast_in_dim3A_291 = vector.broadcast %jit3A_290 : i32 to vector<1024x128xi32>
    %select_n3A_292 = arith.select %gt3A_288, %broadcast_in_dim3A_291, %select_n3A_286 : vector<1024x128xi1>, vector<1024x128xi32>
    %slice3A_293 = vector.extract_strided_slice %dot_general3A_11 {offsets = [0, 6144], sizes = [1024, 128], strides = [1, 1]} : vector<1024x10000xf32> to vector<1024x128xf32>
    %gt3A_294 = arith.cmpf ogt, %slice3A_293, %select_n3A_289 : vector<1024x128xf32>
    %select_n3A_295 = arith.select %gt3A_294, %slice3A_293, %select_n3A_289 : vector<1024x128xi1>, vector<1024x128xf32>
    %jit3A_296 = arith.constant 48 : i32
    %broadcast_in_dim3A_297 = vector.broadcast %jit3A_296 : i32 to vector<1024x128xi32>
    %select_n3A_298 = arith.select %gt3A_294, %broadcast_in_dim3A_297, %select_n3A_292 : vector<1024x128xi1>, vector<1024x128xi32>
    %slice3A_299 = vector.extract_strided_slice %dot_general3A_11 {offsets = [0, 6272], sizes = [1024, 128], strides = [1, 1]} : vector<1024x10000xf32> to vector<1024x128xf32>
    %gt3A_300 = arith.cmpf ogt, %slice3A_299, %select_n3A_295 : vector<1024x128xf32>
    %select_n3A_301 = arith.select %gt3A_300, %slice3A_299, %select_n3A_295 : vector<1024x128xi1>, vector<1024x128xf32>
    %jit3A_302 = arith.constant 49 : i32
    %broadcast_in_dim3A_303 = vector.broadcast %jit3A_302 : i32 to vector<1024x128xi32>
    %select_n3A_304 = arith.select %gt3A_300, %broadcast_in_dim3A_303, %select_n3A_298 : vector<1024x128xi1>, vector<1024x128xi32>
    %slice3A_305 = vector.extract_strided_slice %dot_general3A_11 {offsets = [0, 6400], sizes = [1024, 128], strides = [1, 1]} : vector<1024x10000xf32> to vector<1024x128xf32>
    %gt3A_306 = arith.cmpf ogt, %slice3A_305, %select_n3A_301 : vector<1024x128xf32>
    %select_n3A_307 = arith.select %gt3A_306, %slice3A_305, %select_n3A_301 : vector<1024x128xi1>, vector<1024x128xf32>
    %jit3A_308 = arith.constant 50 : i32
    %broadcast_in_dim3A_309 = vector.broadcast %jit3A_308 : i32 to vector<1024x128xi32>
    %select_n3A_310 = arith.select %gt3A_306, %broadcast_in_dim3A_309, %select_n3A_304 : vector<1024x128xi1>, vector<1024x128xi32>
    %slice3A_311 = vector.extract_strided_slice %dot_general3A_11 {offsets = [0, 6528], sizes = [1024, 128], strides = [1, 1]} : vector<1024x10000xf32> to vector<1024x128xf32>
    %gt3A_312 = arith.cmpf ogt, %slice3A_311, %select_n3A_307 : vector<1024x128xf32>
    %select_n3A_313 = arith.select %gt3A_312, %slice3A_311, %select_n3A_307 : vector<1024x128xi1>, vector<1024x128xf32>
    %jit3A_314 = arith.constant 51 : i32
    %broadcast_in_dim3A_315 = vector.broadcast %jit3A_314 : i32 to vector<1024x128xi32>
    %select_n3A_316 = arith.select %gt3A_312, %broadcast_in_dim3A_315, %select_n3A_310 : vector<1024x128xi1>, vector<1024x128xi32>
    %slice3A_317 = vector.extract_strided_slice %dot_general3A_11 {offsets = [0, 6656], sizes = [1024, 128], strides = [1, 1]} : vector<1024x10000xf32> to vector<1024x128xf32>
    %gt3A_318 = arith.cmpf ogt, %slice3A_317, %select_n3A_313 : vector<1024x128xf32>
    %select_n3A_319 = arith.select %gt3A_318, %slice3A_317, %select_n3A_313 : vector<1024x128xi1>, vector<1024x128xf32>
    %jit3A_320 = arith.constant 52 : i32
    %broadcast_in_dim3A_321 = vector.broadcast %jit3A_320 : i32 to vector<1024x128xi32>
    %select_n3A_322 = arith.select %gt3A_318, %broadcast_in_dim3A_321, %select_n3A_316 : vector<1024x128xi1>, vector<1024x128xi32>
    %slice3A_323 = vector.extract_strided_slice %dot_general3A_11 {offsets = [0, 6784], sizes = [1024, 128], strides = [1, 1]} : vector<1024x10000xf32> to vector<1024x128xf32>
    %gt3A_324 = arith.cmpf ogt, %slice3A_323, %select_n3A_319 : vector<1024x128xf32>
    %select_n3A_325 = arith.select %gt3A_324, %slice3A_323, %select_n3A_319 : vector<1024x128xi1>, vector<1024x128xf32>
    %jit3A_326 = arith.constant 53 : i32
    %broadcast_in_dim3A_327 = vector.broadcast %jit3A_326 : i32 to vector<1024x128xi32>
    %select_n3A_328 = arith.select %gt3A_324, %broadcast_in_dim3A_327, %select_n3A_322 : vector<1024x128xi1>, vector<1024x128xi32>
    %slice3A_329 = vector.extract_strided_slice %dot_general3A_11 {offsets = [0, 6912], sizes = [1024, 128], strides = [1, 1]} : vector<1024x10000xf32> to vector<1024x128xf32>
    %gt3A_330 = arith.cmpf ogt, %slice3A_329, %select_n3A_325 : vector<1024x128xf32>
    %select_n3A_331 = arith.select %gt3A_330, %slice3A_329, %select_n3A_325 : vector<1024x128xi1>, vector<1024x128xf32>
    %jit3A_332 = arith.constant 54 : i32
    %broadcast_in_dim3A_333 = vector.broadcast %jit3A_332 : i32 to vector<1024x128xi32>
    %select_n3A_334 = arith.select %gt3A_330, %broadcast_in_dim3A_333, %select_n3A_328 : vector<1024x128xi1>, vector<1024x128xi32>
    %slice3A_335 = vector.extract_strided_slice %dot_general3A_11 {offsets = [0, 7040], sizes = [1024, 128], strides = [1, 1]} : vector<1024x10000xf32> to vector<1024x128xf32>
    %gt3A_336 = arith.cmpf ogt, %slice3A_335, %select_n3A_331 : vector<1024x128xf32>
    %select_n3A_337 = arith.select %gt3A_336, %slice3A_335, %select_n3A_331 : vector<1024x128xi1>, vector<1024x128xf32>
    %jit3A_338 = arith.constant 55 : i32
    %broadcast_in_dim3A_339 = vector.broadcast %jit3A_338 : i32 to vector<1024x128xi32>
    %select_n3A_340 = arith.select %gt3A_336, %broadcast_in_dim3A_339, %select_n3A_334 : vector<1024x128xi1>, vector<1024x128xi32>
    %slice3A_341 = vector.extract_strided_slice %dot_general3A_11 {offsets = [0, 7168], sizes = [1024, 128], strides = [1, 1]} : vector<1024x10000xf32> to vector<1024x128xf32>
    %gt3A_342 = arith.cmpf ogt, %slice3A_341, %select_n3A_337 : vector<1024x128xf32>
    %select_n3A_343 = arith.select %gt3A_342, %slice3A_341, %select_n3A_337 : vector<1024x128xi1>, vector<1024x128xf32>
    %jit3A_344 = arith.constant 56 : i32
    %broadcast_in_dim3A_345 = vector.broadcast %jit3A_344 : i32 to vector<1024x128xi32>
    %select_n3A_346 = arith.select %gt3A_342, %broadcast_in_dim3A_345, %select_n3A_340 : vector<1024x128xi1>, vector<1024x128xi32>
    %slice3A_347 = vector.extract_strided_slice %dot_general3A_11 {offsets = [0, 7296], sizes = [1024, 128], strides = [1, 1]} : vector<1024x10000xf32> to vector<1024x128xf32>
    %gt3A_348 = arith.cmpf ogt, %slice3A_347, %select_n3A_343 : vector<1024x128xf32>
    %select_n3A_349 = arith.select %gt3A_348, %slice3A_347, %select_n3A_343 : vector<1024x128xi1>, vector<1024x128xf32>
    %jit3A_350 = arith.constant 57 : i32
    %broadcast_in_dim3A_351 = vector.broadcast %jit3A_350 : i32 to vector<1024x128xi32>
    %select_n3A_352 = arith.select %gt3A_348, %broadcast_in_dim3A_351, %select_n3A_346 : vector<1024x128xi1>, vector<1024x128xi32>
    %slice3A_353 = vector.extract_strided_slice %dot_general3A_11 {offsets = [0, 7424], sizes = [1024, 128], strides = [1, 1]} : vector<1024x10000xf32> to vector<1024x128xf32>
    %gt3A_354 = arith.cmpf ogt, %slice3A_353, %select_n3A_349 : vector<1024x128xf32>
    %select_n3A_355 = arith.select %gt3A_354, %slice3A_353, %select_n3A_349 : vector<1024x128xi1>, vector<1024x128xf32>
    %jit3A_356 = arith.constant 58 : i32
    %broadcast_in_dim3A_357 = vector.broadcast %jit3A_356 : i32 to vector<1024x128xi32>
    %select_n3A_358 = arith.select %gt3A_354, %broadcast_in_dim3A_357, %select_n3A_352 : vector<1024x128xi1>, vector<1024x128xi32>
    %slice3A_359 = vector.extract_strided_slice %dot_general3A_11 {offsets = [0, 7552], sizes = [1024, 128], strides = [1, 1]} : vector<1024x10000xf32> to vector<1024x128xf32>
    %gt3A_360 = arith.cmpf ogt, %slice3A_359, %select_n3A_355 : vector<1024x128xf32>
    %select_n3A_361 = arith.select %gt3A_360, %slice3A_359, %select_n3A_355 : vector<1024x128xi1>, vector<1024x128xf32>
    %jit3A_362 = arith.constant 59 : i32
    %broadcast_in_dim3A_363 = vector.broadcast %jit3A_362 : i32 to vector<1024x128xi32>
    %select_n3A_364 = arith.select %gt3A_360, %broadcast_in_dim3A_363, %select_n3A_358 : vector<1024x128xi1>, vector<1024x128xi32>
    %slice3A_365 = vector.extract_strided_slice %dot_general3A_11 {offsets = [0, 7680], sizes = [1024, 128], strides = [1, 1]} : vector<1024x10000xf32> to vector<1024x128xf32>
    %gt3A_366 = arith.cmpf ogt, %slice3A_365, %select_n3A_361 : vector<1024x128xf32>
    %select_n3A_367 = arith.select %gt3A_366, %slice3A_365, %select_n3A_361 : vector<1024x128xi1>, vector<1024x128xf32>
    %jit3A_368 = arith.constant 60 : i32
    %broadcast_in_dim3A_369 = vector.broadcast %jit3A_368 : i32 to vector<1024x128xi32>
    %select_n3A_370 = arith.select %gt3A_366, %broadcast_in_dim3A_369, %select_n3A_364 : vector<1024x128xi1>, vector<1024x128xi32>
    %slice3A_371 = vector.extract_strided_slice %dot_general3A_11 {offsets = [0, 7808], sizes = [1024, 128], strides = [1, 1]} : vector<1024x10000xf32> to vector<1024x128xf32>
    %gt3A_372 = arith.cmpf ogt, %slice3A_371, %select_n3A_367 : vector<1024x128xf32>
    %select_n3A_373 = arith.select %gt3A_372, %slice3A_371, %select_n3A_367 : vector<1024x128xi1>, vector<1024x128xf32>
    %jit3A_374 = arith.constant 61 : i32
    %broadcast_in_dim3A_375 = vector.broadcast %jit3A_374 : i32 to vector<1024x128xi32>
    %select_n3A_376 = arith.select %gt3A_372, %broadcast_in_dim3A_375, %select_n3A_370 : vector<1024x128xi1>, vector<1024x128xi32>
    %slice3A_377 = vector.extract_strided_slice %dot_general3A_11 {offsets = [0, 7936], sizes = [1024, 128], strides = [1, 1]} : vector<1024x10000xf32> to vector<1024x128xf32>
    %gt3A_378 = arith.cmpf ogt, %slice3A_377, %select_n3A_373 : vector<1024x128xf32>
    %select_n3A_379 = arith.select %gt3A_378, %slice3A_377, %select_n3A_373 : vector<1024x128xi1>, vector<1024x128xf32>
    %jit3A_380 = arith.constant 62 : i32
    %broadcast_in_dim3A_381 = vector.broadcast %jit3A_380 : i32 to vector<1024x128xi32>
    %select_n3A_382 = arith.select %gt3A_378, %broadcast_in_dim3A_381, %select_n3A_376 : vector<1024x128xi1>, vector<1024x128xi32>
    %slice3A_383 = vector.extract_strided_slice %dot_general3A_11 {offsets = [0, 8064], sizes = [1024, 128], strides = [1, 1]} : vector<1024x10000xf32> to vector<1024x128xf32>
    %gt3A_384 = arith.cmpf ogt, %slice3A_383, %select_n3A_379 : vector<1024x128xf32>
    %select_n3A_385 = arith.select %gt3A_384, %slice3A_383, %select_n3A_379 : vector<1024x128xi1>, vector<1024x128xf32>
    %jit3A_386 = arith.constant 63 : i32
    %broadcast_in_dim3A_387 = vector.broadcast %jit3A_386 : i32 to vector<1024x128xi32>
    %select_n3A_388 = arith.select %gt3A_384, %broadcast_in_dim3A_387, %select_n3A_382 : vector<1024x128xi1>, vector<1024x128xi32>
    %slice3A_389 = vector.extract_strided_slice %dot_general3A_11 {offsets = [0, 8192], sizes = [1024, 128], strides = [1, 1]} : vector<1024x10000xf32> to vector<1024x128xf32>
    %gt3A_390 = arith.cmpf ogt, %slice3A_389, %select_n3A_385 : vector<1024x128xf32>
    %select_n3A_391 = arith.select %gt3A_390, %slice3A_389, %select_n3A_385 : vector<1024x128xi1>, vector<1024x128xf32>
    %jit3A_392 = arith.constant 64 : i32
    %broadcast_in_dim3A_393 = vector.broadcast %jit3A_392 : i32 to vector<1024x128xi32>
    %select_n3A_394 = arith.select %gt3A_390, %broadcast_in_dim3A_393, %select_n3A_388 : vector<1024x128xi1>, vector<1024x128xi32>
    %slice3A_395 = vector.extract_strided_slice %dot_general3A_11 {offsets = [0, 8320], sizes = [1024, 128], strides = [1, 1]} : vector<1024x10000xf32> to vector<1024x128xf32>
    %gt3A_396 = arith.cmpf ogt, %slice3A_395, %select_n3A_391 : vector<1024x128xf32>
    %select_n3A_397 = arith.select %gt3A_396, %slice3A_395, %select_n3A_391 : vector<1024x128xi1>, vector<1024x128xf32>
    %jit3A_398 = arith.constant 65 : i32
    %broadcast_in_dim3A_399 = vector.broadcast %jit3A_398 : i32 to vector<1024x128xi32>
    %select_n3A_400 = arith.select %gt3A_396, %broadcast_in_dim3A_399, %select_n3A_394 : vector<1024x128xi1>, vector<1024x128xi32>
    %slice3A_401 = vector.extract_strided_slice %dot_general3A_11 {offsets = [0, 8448], sizes = [1024, 128], strides = [1, 1]} : vector<1024x10000xf32> to vector<1024x128xf32>
    %gt3A_402 = arith.cmpf ogt, %slice3A_401, %select_n3A_397 : vector<1024x128xf32>
    %select_n3A_403 = arith.select %gt3A_402, %slice3A_401, %select_n3A_397 : vector<1024x128xi1>, vector<1024x128xf32>
    %jit3A_404 = arith.constant 66 : i32
    %broadcast_in_dim3A_405 = vector.broadcast %jit3A_404 : i32 to vector<1024x128xi32>
    %select_n3A_406 = arith.select %gt3A_402, %broadcast_in_dim3A_405, %select_n3A_400 : vector<1024x128xi1>, vector<1024x128xi32>
    %slice3A_407 = vector.extract_strided_slice %dot_general3A_11 {offsets = [0, 8576], sizes = [1024, 128], strides = [1, 1]} : vector<1024x10000xf32> to vector<1024x128xf32>
    %gt3A_408 = arith.cmpf ogt, %slice3A_407, %select_n3A_403 : vector<1024x128xf32>
    %select_n3A_409 = arith.select %gt3A_408, %slice3A_407, %select_n3A_403 : vector<1024x128xi1>, vector<1024x128xf32>
    %jit3A_410 = arith.constant 67 : i32
    %broadcast_in_dim3A_411 = vector.broadcast %jit3A_410 : i32 to vector<1024x128xi32>
    %select_n3A_412 = arith.select %gt3A_408, %broadcast_in_dim3A_411, %select_n3A_406 : vector<1024x128xi1>, vector<1024x128xi32>
    %slice3A_413 = vector.extract_strided_slice %dot_general3A_11 {offsets = [0, 8704], sizes = [1024, 128], strides = [1, 1]} : vector<1024x10000xf32> to vector<1024x128xf32>
    %gt3A_414 = arith.cmpf ogt, %slice3A_413, %select_n3A_409 : vector<1024x128xf32>
    %select_n3A_415 = arith.select %gt3A_414, %slice3A_413, %select_n3A_409 : vector<1024x128xi1>, vector<1024x128xf32>
    %jit3A_416 = arith.constant 68 : i32
    %broadcast_in_dim3A_417 = vector.broadcast %jit3A_416 : i32 to vector<1024x128xi32>
    %select_n3A_418 = arith.select %gt3A_414, %broadcast_in_dim3A_417, %select_n3A_412 : vector<1024x128xi1>, vector<1024x128xi32>
    %slice3A_419 = vector.extract_strided_slice %dot_general3A_11 {offsets = [0, 8832], sizes = [1024, 128], strides = [1, 1]} : vector<1024x10000xf32> to vector<1024x128xf32>
    %gt3A_420 = arith.cmpf ogt, %slice3A_419, %select_n3A_415 : vector<1024x128xf32>
    %select_n3A_421 = arith.select %gt3A_420, %slice3A_419, %select_n3A_415 : vector<1024x128xi1>, vector<1024x128xf32>
    %jit3A_422 = arith.constant 69 : i32
    %broadcast_in_dim3A_423 = vector.broadcast %jit3A_422 : i32 to vector<1024x128xi32>
    %select_n3A_424 = arith.select %gt3A_420, %broadcast_in_dim3A_423, %select_n3A_418 : vector<1024x128xi1>, vector<1024x128xi32>
    %slice3A_425 = vector.extract_strided_slice %dot_general3A_11 {offsets = [0, 8960], sizes = [1024, 128], strides = [1, 1]} : vector<1024x10000xf32> to vector<1024x128xf32>
    %gt3A_426 = arith.cmpf ogt, %slice3A_425, %select_n3A_421 : vector<1024x128xf32>
    %select_n3A_427 = arith.select %gt3A_426, %slice3A_425, %select_n3A_421 : vector<1024x128xi1>, vector<1024x128xf32>
    %jit3A_428 = arith.constant 70 : i32
    %broadcast_in_dim3A_429 = vector.broadcast %jit3A_428 : i32 to vector<1024x128xi32>
    %select_n3A_430 = arith.select %gt3A_426, %broadcast_in_dim3A_429, %select_n3A_424 : vector<1024x128xi1>, vector<1024x128xi32>
    %slice3A_431 = vector.extract_strided_slice %dot_general3A_11 {offsets = [0, 9088], sizes = [1024, 128], strides = [1, 1]} : vector<1024x10000xf32> to vector<1024x128xf32>
    %gt3A_432 = arith.cmpf ogt, %slice3A_431, %select_n3A_427 : vector<1024x128xf32>
    %select_n3A_433 = arith.select %gt3A_432, %slice3A_431, %select_n3A_427 : vector<1024x128xi1>, vector<1024x128xf32>
    %jit3A_434 = arith.constant 71 : i32
    %broadcast_in_dim3A_435 = vector.broadcast %jit3A_434 : i32 to vector<1024x128xi32>
    %select_n3A_436 = arith.select %gt3A_432, %broadcast_in_dim3A_435, %select_n3A_430 : vector<1024x128xi1>, vector<1024x128xi32>
    %slice3A_437 = vector.extract_strided_slice %dot_general3A_11 {offsets = [0, 9216], sizes = [1024, 128], strides = [1, 1]} : vector<1024x10000xf32> to vector<1024x128xf32>
    %gt3A_438 = arith.cmpf ogt, %slice3A_437, %select_n3A_433 : vector<1024x128xf32>
    %select_n3A_439 = arith.select %gt3A_438, %slice3A_437, %select_n3A_433 : vector<1024x128xi1>, vector<1024x128xf32>
    %jit3A_440 = arith.constant 72 : i32
    %broadcast_in_dim3A_441 = vector.broadcast %jit3A_440 : i32 to vector<1024x128xi32>
    %select_n3A_442 = arith.select %gt3A_438, %broadcast_in_dim3A_441, %select_n3A_436 : vector<1024x128xi1>, vector<1024x128xi32>
    %slice3A_443 = vector.extract_strided_slice %dot_general3A_11 {offsets = [0, 9344], sizes = [1024, 128], strides = [1, 1]} : vector<1024x10000xf32> to vector<1024x128xf32>
    %gt3A_444 = arith.cmpf ogt, %slice3A_443, %select_n3A_439 : vector<1024x128xf32>
    %select_n3A_445 = arith.select %gt3A_444, %slice3A_443, %select_n3A_439 : vector<1024x128xi1>, vector<1024x128xf32>
    %jit3A_446 = arith.constant 73 : i32
    %broadcast_in_dim3A_447 = vector.broadcast %jit3A_446 : i32 to vector<1024x128xi32>
    %select_n3A_448 = arith.select %gt3A_444, %broadcast_in_dim3A_447, %select_n3A_442 : vector<1024x128xi1>, vector<1024x128xi32>
    %slice3A_449 = vector.extract_strided_slice %dot_general3A_11 {offsets = [0, 9472], sizes = [1024, 128], strides = [1, 1]} : vector<1024x10000xf32> to vector<1024x128xf32>
    %gt3A_450 = arith.cmpf ogt, %slice3A_449, %select_n3A_445 : vector<1024x128xf32>
    %select_n3A_451 = arith.select %gt3A_450, %slice3A_449, %select_n3A_445 : vector<1024x128xi1>, vector<1024x128xf32>
    %jit3A_452 = arith.constant 74 : i32
    %broadcast_in_dim3A_453 = vector.broadcast %jit3A_452 : i32 to vector<1024x128xi32>
    %select_n3A_454 = arith.select %gt3A_450, %broadcast_in_dim3A_453, %select_n3A_448 : vector<1024x128xi1>, vector<1024x128xi32>
    %slice3A_455 = vector.extract_strided_slice %dot_general3A_11 {offsets = [0, 9600], sizes = [1024, 128], strides = [1, 1]} : vector<1024x10000xf32> to vector<1024x128xf32>
    %gt3A_456 = arith.cmpf ogt, %slice3A_455, %select_n3A_451 : vector<1024x128xf32>
    %select_n3A_457 = arith.select %gt3A_456, %slice3A_455, %select_n3A_451 : vector<1024x128xi1>, vector<1024x128xf32>
    %jit3A_458 = arith.constant 75 : i32
    %broadcast_in_dim3A_459 = vector.broadcast %jit3A_458 : i32 to vector<1024x128xi32>
    %select_n3A_460 = arith.select %gt3A_456, %broadcast_in_dim3A_459, %select_n3A_454 : vector<1024x128xi1>, vector<1024x128xi32>
    %slice3A_461 = vector.extract_strided_slice %dot_general3A_11 {offsets = [0, 9728], sizes = [1024, 128], strides = [1, 1]} : vector<1024x10000xf32> to vector<1024x128xf32>
    %gt3A_462 = arith.cmpf ogt, %slice3A_461, %select_n3A_457 : vector<1024x128xf32>
    %select_n3A_463 = arith.select %gt3A_462, %slice3A_461, %select_n3A_457 : vector<1024x128xi1>, vector<1024x128xf32>
    %jit3A_464 = arith.constant 76 : i32
    %broadcast_in_dim3A_465 = vector.broadcast %jit3A_464 : i32 to vector<1024x128xi32>
    %select_n3A_466 = arith.select %gt3A_462, %broadcast_in_dim3A_465, %select_n3A_460 : vector<1024x128xi1>, vector<1024x128xi32>
    %slice3A_467 = vector.extract_strided_slice %dot_general3A_11 {offsets = [0, 9856], sizes = [1024, 128], strides = [1, 1]} : vector<1024x10000xf32> to vector<1024x128xf32>
    %gt3A_468 = arith.cmpf ogt, %slice3A_467, %select_n3A_463 : vector<1024x128xf32>
    %select_n3A_469 = arith.select %gt3A_468, %slice3A_467, %select_n3A_463 : vector<1024x128xi1>, vector<1024x128xf32>
    %jit3A_470 = arith.constant 77 : i32
    %broadcast_in_dim3A_471 = vector.broadcast %jit3A_470 : i32 to vector<1024x128xi32>
    %select_n3A_472 = arith.select %gt3A_468, %broadcast_in_dim3A_471, %select_n3A_466 : vector<1024x128xi1>, vector<1024x128xi32>
    %slice3A_473 = vector.extract_strided_slice %dot_general3A_11 {offsets = [0, 9984], sizes = [1024, 16], strides = [1, 1]} : vector<1024x10000xf32> to vector<1024x16xf32>
    %broadcast_in_dim3A_474 = arith.constant 0xFF800000 : f32
    %broadcast_in_dim3A_475 = vector.broadcast %broadcast_in_dim3A_474 : f32 to vector<1024x112xf32>
    %concatenate3A = tpu.concatenate %slice3A_473, %broadcast_in_dim3A_475 in 1 : vector<1024x16xf32>, vector<1024x112xf32> -> vector<1024x128xf32>
    %gt3A_476 = arith.cmpf ogt, %concatenate3A, %select_n3A_469 : vector<1024x128xf32>
    %select_n3A_477 = arith.select %gt3A_476, %concatenate3A, %select_n3A_469 : vector<1024x128xi1>, vector<1024x128xf32>
    %jit3A_478 = arith.constant 78 : i32
    %broadcast_in_dim3A_479 = vector.broadcast %jit3A_478 : i32 to vector<1024x128xi32>
    %select_n3A_480 = arith.select %gt3A_476, %broadcast_in_dim3A_479, %select_n3A_472 : vector<1024x128xi1>, vector<1024x128xi32>
    %reduce_max3A = arith.constant dense<0xFF800000> : vector<1024xf32>
    %reduce_max3A_481 = vector.multi_reduction <maximumf>, %select_n3A_477, %reduce_max3A [1] : vector<1024x128xf32> to vector<1024xf32>
    %broadcast_in_dim3A_482 = vector.shape_cast %reduce_max3A_481 : vector<1024xf32> to vector<1024x1xf32>
    %mul3A_483 = arith.constant 128 : i32
    %mul3A_484 = vector.broadcast %mul3A_483 : i32 to vector<1024x128xi32>
    %mul3A_485 = arith.muli %select_n3A_480, %mul3A_484 : vector<1024x128xi32>
    %iota3A = tpu.iota {dimensions = array<i32: 1>} : vector<1024x128xi32>
    %add3A = arith.addi %mul3A_485, %iota3A : vector<1024x128xi32>
    %eq3A_486 = vector.broadcast %broadcast_in_dim3A_482 : vector<1024x1xf32> to vector<1024x128xf32>
    %eq3A_487 = arith.cmpf oeq, %select_n3A_477, %eq3A_486 : vector<1024x128xf32>
    %jit3A_488 = arith.constant 2147483647 : i32
    %broadcast_in_dim3A_489 = vector.broadcast %jit3A_488 : i32 to vector<1024x128xi32>
    %select_n3A_490 = arith.select %eq3A_487, %add3A, %broadcast_in_dim3A_489 : vector<1024x128xi1>, vector<1024x128xi32>
    %reduce_min3A = arith.constant dense<2147483647> : vector<1024xi32>
    %reduce_min3A_491 = vector.multi_reduction <minsi>, %select_n3A_490, %reduce_min3A [1] : vector<1024x128xi32> to vector<1024xi32>
    %broadcast_in_dim3A_492 = vector.shape_cast %reduce_min3A_491 : vector<1024xi32> to vector<1024x1xi32>
    %mul3A_493 = arith.constant 1024 : i32
    %mul3A_494 = arith.muli %arg1, %mul3A_493 : i32
    %eq3A_495 = arith.constant 0 : i32
    %eq3A_496 = arith.cmpi eq, %arg0, %eq3A_495 : i32
    %convert_element_type3A_497 = arith.extui %eq3A_496 : i1 to i32
    %cond3A_498 = arith.constant 0 : i32
    %cond3A_499 = arith.cmpi ne, %convert_element_type3A_497, %cond3A_498 : i32
    scf.if %cond3A_499 {
      %broadcast_in_dim3A_533 = arith.constant 0xFF800000 : f32
      %broadcast_in_dim3A_534 = vector.broadcast %broadcast_in_dim3A_533 : f32 to vector<1024x1xf32>
      %swap3A_535 = arith.index_cast %mul3A_494 : i32 to index
      %swap3A_536 = arith.constant 0 : index
      %swap3A_537 = vector.load %arg7[%swap3A_535, %swap3A_536] : memref<1024x1xf32, #tpu.memory_space<vmem>>, vector<1024x1xf32>
      tpu.vector_store %arg7[%swap3A_535, %swap3A_536], %broadcast_in_dim3A_534 {strides = array<i32>} : memref<1024x1xf32, #tpu.memory_space<vmem>>, vector<1024x1xf32>,
      %broadcast_in_dim3A_538 = arith.constant 0 : i32
      %broadcast_in_dim3A_539 = vector.broadcast %broadcast_in_dim3A_538 : i32 to vector<1024x1xi32>
      %swap3A_540 = arith.index_cast %mul3A_494 : i32 to index
      %swap3A_541 = arith.constant 0 : index
      %swap3A_542 = vector.load %arg8[%swap3A_540, %swap3A_541] : memref<1024x1xi32, #tpu.memory_space<vmem>>, vector<1024x1xi32>
      tpu.vector_store %arg8[%swap3A_540, %swap3A_541], %broadcast_in_dim3A_539 {strides = array<i32>} : memref<1024x1xi32, #tpu.memory_space<vmem>>, vector<1024x1xi32>,
    } else {
    }
    %get3A_500 = arith.index_cast %mul3A_494 : i32 to index
    %get3A_501 = arith.constant 0 : index
    %get3A_502 = vector.load %arg7[%get3A_500, %get3A_501] : memref<1024x1xf32, #tpu.memory_space<vmem>>, vector<1024x1xf32>
    %gt3A_503 = arith.cmpf ogt, %broadcast_in_dim3A_482, %get3A_502 : vector<1024x1xf32>
    %mul3A_504 = arith.constant 10000 : i32
    %mul3A_505 = arith.muli %arg0, %mul3A_504 : i32
    %add3A_506 = vector.broadcast %mul3A_505 : i32 to vector<1024x1xi32>
    %add3A_507 = arith.addi %add3A_506, %broadcast_in_dim3A_492 : vector<1024x1xi32>
    %get3A_508 = arith.index_cast %mul3A_494 : i32 to index
    %get3A_509 = arith.constant 0 : index
    %get3A_510 = vector.load %arg8[%get3A_508, %get3A_509] : memref<1024x1xi32, #tpu.memory_space<vmem>>, vector<1024x1xi32>
    %select_n3A_511 = arith.select %gt3A_503, %add3A_507, %get3A_510 : vector<1024x1xi1>, vector<1024x1xi32>
    %swap3A = arith.index_cast %mul3A_494 : i32 to index
    %swap3A_512 = arith.constant 0 : index
    %swap3A_513 = vector.load %arg8[%swap3A, %swap3A_512] : memref<1024x1xi32, #tpu.memory_space<vmem>>, vector<1024x1xi32>
    tpu.vector_store %arg8[%swap3A, %swap3A_512], %select_n3A_511 {strides = array<i32>} : memref<1024x1xi32, #tpu.memory_space<vmem>>, vector<1024x1xi32>,
    %get3A_514 = arith.index_cast %mul3A_494 : i32 to index
    %get3A_515 = arith.constant 0 : index
    %get3A_516 = vector.load %arg7[%get3A_514, %get3A_515] : memref<1024x1xf32, #tpu.memory_space<vmem>>, vector<1024x1xf32>
    %select_n3A_517 = arith.select %gt3A_503, %broadcast_in_dim3A_482, %get3A_516 : vector<1024x1xi1>, vector<1024x1xf32>
    %swap3A_518 = arith.index_cast %mul3A_494 : i32 to index
    %swap3A_519 = arith.constant 0 : index
    %swap3A_520 = vector.load %arg7[%swap3A_518, %swap3A_519] : memref<1024x1xf32, #tpu.memory_space<vmem>>, vector<1024x1xf32>
    tpu.vector_store %arg7[%swap3A_518, %swap3A_519], %select_n3A_517 {strides = array<i32>} : memref<1024x1xf32, #tpu.memory_space<vmem>>, vector<1024x1xf32>,
    %eq3A_521 = arith.constant 9 : i32
    %eq3A_522 = arith.cmpi eq, %arg0, %eq3A_521 : i32
    %convert_element_type3A_523 = arith.extui %eq3A_522 : i1 to i32
    %cond3A_524 = arith.constant 0 : i32
    %cond3A_525 = arith.cmpi ne, %convert_element_type3A_523, %cond3A_524 : i32
    scf.if %cond3A_525 {
      %get3A_533 = arith.index_cast %mul3A_494 : i32 to index
      %get3A_534 = arith.constant 0 : index
      %get3A_535 = vector.load %arg8[%get3A_533, %get3A_534] : memref<1024x1xi32, #tpu.memory_space<vmem>>, vector<1024x1xi32>
      %swap3A_536 = arith.index_cast %mul3A_494 : i32 to index
      %swap3A_537 = arith.constant 0 : index
      %swap3A_538 = vector.load %arg4[%swap3A_536, %swap3A_537] : memref<1024x1xi32, #tpu.memory_space<vmem>>, vector<1024x1xi32>
      tpu.vector_store %arg4[%swap3A_536, %swap3A_537], %get3A_535 {strides = array<i32>} : memref<1024x1xi32, #tpu.memory_space<vmem>>, vector<1024x1xi32>,
      %get3A_539 = arith.index_cast %mul3A_494 : i32 to index
      %get3A_540 = arith.constant 0 : index
      %get3A_541 = vector.load %arg7[%get3A_539, %get3A_540] : memref<1024x1xf32, #tpu.memory_space<vmem>>, vector<1024x1xf32>
      %swap3A_542 = arith.index_cast %mul3A_494 : i32 to index
      %swap3A_543 = arith.constant 0 : index
      %swap3A_544 = vector.load %arg5[%swap3A_542, %swap3A_543] : memref<1024x1xf32, #tpu.memory_space<vmem>>, vector<1024x1xf32>
      tpu.vector_store %arg5[%swap3A_542, %swap3A_543], %get3A_541 {strides = array<i32>} : memref<1024x1xf32, #tpu.memory_space<vmem>>, vector<1024x1xf32>,
    } else {
    }
    %eq3A_526 = arith.constant 9 : i32
    %eq3A_527 = arith.cmpi eq, %arg0, %eq3A_526 : i32
    %eq3A_528 = arith.constant 0 : i32
    %eq3A_529 = arith.cmpi eq, %arg1, %eq3A_528 : i32
    %and3A = arith.andi %eq3A_527, %eq3A_529 : i1
    %convert_element_type3A_530 = arith.extui %and3A : i1 to i32
    %cond3A_531 = arith.constant 0 : i32
    %cond3A_532 = arith.cmpi ne, %convert_element_type3A_530, %cond3A_531 : i32
    scf.if %cond3A_532 {
      %get3A_533 = arith.constant 0 : index
      %get3A_534 = arith.constant 0 : index
      %get3A_535 = vector.load %arg7[%get3A_533, %get3A_534] : memref<1024x1xf32, #tpu.memory_space<vmem>>, vector<1024x1xf32>
      %reduce_sum3A_536 = vector.shape_cast %get3A_535 : vector<1024x1xf32> to vector<1x1024x1xf32>
      %reduce_sum3A_537 = arith.constant dense<0.000000e+00> : vector<1xf32>
      %reduce_sum3A_538 = vector.multi_reduction <add>, %reduce_sum3A_536, %reduce_sum3A_537 [1, 2] : vector<1x1024x1xf32> to vector<1xf32>
      %reduce_sum3A_539 = vector.shape_cast %reduce_sum3A_538 : vector<1xf32> to vector<1x1x1xf32>
      %reduce_sum3A_540 = vector.extract %reduce_sum3A_539[0, 0, 0] : f32 from vector<1x1x1xf32>
      %div3A_541 = arith.constant 1.024000e+03 : f32
      %div3A_542 = arith.divf %reduce_sum3A_540, %div3A_541 : f32
      %broadcast_in_dim3A_543 = vector.broadcast %div3A_542 : f32 to vector<8x128xf32>
      %swap3A_544 = arith.constant 0 : index
      %swap3A_545 = arith.constant 0 : index
      %swap3A_546 = vector.load %arg6[%swap3A_544, %swap3A_545] : memref<8x128xf32, #tpu.memory_space<vmem>>, vector<8x128xf32>
      tpu.vector_store %arg6[%swap3A_544, %swap3A_545], %broadcast_in_dim3A_543 {strides = array<i32>} : memref<8x128xf32, #tpu.memory_space<vmem>>, vector<8x128xf32>,
    } else {
    }
    return
  }
  func.func @transform_0(%arg0: i32, %arg1: i32) -> (i32, i32) {
    %c0_i32 = arith.constant 0 : i32
    %c0_i32_0 = arith.constant 0 : i32
    return %arg1, %c0_i32 : i32, i32
  }
  func.func @transform_1(%arg0: i32, %arg1: i32) -> (i32, i32) {
    %c0_i32 = arith.constant 0 : i32
    %c0_i32_0 = arith.constant 0 : i32
    return %arg0, %c0_i32 : i32, i32
  }
  func.func @transform_2(%arg0: i32, %arg1: i32) -> (i32, i32) {
    %c0_i32 = arith.constant 0 : i32
    %c0_i32_0 = arith.constant 0 : i32
    %c0_i32_1 = arith.constant 0 : i32
    return %c0_i32, %c0_i32_0 : i32, i32
  }
  func.func @transform_3(%arg0: i32, %arg1: i32) -> (i32, i32) {
    %c0_i32 = arith.constant 0 : i32
    %c0_i32_0 = arith.constant 0 : i32
    %c0_i32_1 = arith.constant 0 : i32
    return %c0_i32, %c0_i32_0 : i32, i32
  }
  func.func @transform_4(%arg0: i32, %arg1: i32) -> (i32, i32) {
    %c0_i32 = arith.constant 0 : i32
    %c0_i32_0 = arith.constant 0 : i32
    %c0_i32_1 = arith.constant 0 : i32
    return %c0_i32, %c0_i32_0 : i32, i32
  }
}

</mosaic_0001>

<sc_bundles>
// kernel: kernel.4.cloned.1.call-start
scs
__scs_entry_jumppad:
0x0: {  	(pc) =	sbr.rel $0x88, $3  }
0x1: {  	(tag) =	ssettag $0x0;
	lr =	simm.s32 $0x1  }
0x2: {  	[smem:$0x3F9E] =	sst lr;
	_ =	strace $0xD0000000  }
0x3: {  	_ = 	snop  }
0x4: {  	_ = 	snop  }
0x5: {  	_ = 	snop  }
0x6: {  	_ = 	snop  }
0x7: {  	_ = 	snop  }
__scs_overlays_trampoline_lowered:
0x8: {  	[smem:$0x3FAD] =	sst s0  }
0x9: {  	[smem:$0x3FAE] =	sst s1  }
0xa: {  	[smem:$0x3FAF] =	sst s2  }
0xb: {  	[smem:$0x3FB0] =	sst s3  }
0xc: {  	[smem:$0x3FB1] =	sst s4  }
0xd: {  	[smem:$0x3FB2] =	sst s5  }
0xe: {  	[smem:$0x3FB3] =	sst s6  }
0xf: {  	[smem:$0x3FB4] =	sst s7  }
0x10: {  	[smem:$0x3FB5] =	sst s8  }
0x11: {  	[smem:$0x3FB6] =	sst s9;
	s0 =	simm.s32 @!p0 $0x0  }
0x12: {  	s1 =	sld [smem:$0x3F9C];
	s0 =	simm.s32 @p0 $0x1  }
0x13: {  	[smem:$0x3FB7] =	sst s0;
	s0 =	simm.s32 @!p1 $0x0  }
0x14: {  	s2 =	sld [smem:$0x3F9B];
	s0 =	simm.s32 @p1 $0x1  }
0x15: {  	[smem:$0x3FB8] =	sst s0;
	s0 =	simm.s32 @!p2 $0x0  }
0x16: {  	s3 =	sld [smem:$0x3FDB];
	s0 =	simm.s32 @p2 $0x1  }
0x17: {  	s4 =	simm.s32 $0x1BF5;
	[smem:$0x3FBA] =	sst s0  }
0x18: {  	s0 =	sld [smem:$0x3F9D];
	_ =	swait.ge [sflag:s4], $0x0  }
0x19: {  	s7 =	sld [smem:$0x3F9E]  }
0x1a: {  	s8 =	sadd.s32 $0xFFFFE003, lr  }
0x1b: {  	s9 =	sadd.s32 $0xFFFFFEF7, lr;
	s5 =	simm.s32 $0xFFFFFFFF;
	p2 =	slt.u32 s8, $0xFFFFF086  }
0x1c: {  	p1 =	slt.u32 s9, $0xF7A;
	s5 =	simm.s32 @!p2 $0x0  }
0x1d: {  	s5 =	simm.s32 @p1 $0x1;
	p0 =	seq.s32 s7, s2  }
0x1e: {  	s7 =	smul.u32 @!p0 $0xF7A, s2;
	p2 =	seq.s32 @!p0 s5, $0x0  }
0x1f: {  	s9 =	smul.u32 $0xF7A, s1;
	s8 =	simm.s32 @!p0 $0x1BF5;
	p2 =	por !p2, p0  }
0x20: {  	[sflag:s8] =	ssyncset.s32 @!p0 $0xFFFFF086;
	s6 =	sadd.s32 @!p0 s3, s7;
	s7 =	simm.s32 @!p0 $0x108  }
0x21: {  	s3 =	sadd.s32 s3, s9;
	s6 =	sadd.s32 @!p0 $0x88, s6;
	s7 =	simm.s32 @p2 $0x1082  }
0x22: {  	[simem:s7], [sflag:s8] =	dma.local @!p0 [hbm:s6], $0xF7A  }
0x23: {  	s9 =	sor.u32 $0xD0000000, s2;
	s6 =	simm.s32 $0x108;
	_ =	swait.ge @!p0 [sflag:s8], $0x0  }
0x24: {  	s3 =	sadd.s32 $0x88, s3;
	s6 =	simm.s32 @!p1 $0x1082;
	[sflag:s4] =	ssyncset.s32 $0xFFFFF086  }
0x25: {  	[simem:s6], [sflag:s4] =	dma.local [hbm:s3], $0xF7A  }
0x26: {  	[smem:$0x3F9E] =	sst s1;
	(tag) =	ssettag s2;
	_ =	strace s9  }
0x27: {  	s1 =	sld [smem:$0x3FAE]  }
0x28: {  	s2 =	sld [smem:$0x3FAF]  }
0x29: {  	s4 =	sld [smem:$0x3FB1]  }
0x2a: {  	p0 =	seq.s32 s5, $0x0;
	s5 =	sld [smem:$0x3FB2]  }
0x2b: {  	s6 =	sld [smem:$0x3FB3]  }
0x2c: {  	s7 =	sld [smem:$0x3FB4]  }
0x2d: {  	s3 =	simm.s32 $0x108;
	s8 =	sld [smem:$0x3FB5]  }
0x2e: {  	s3 =	simm.s32 @!p0 $0x1082;
	s9 =	sld [smem:$0x3FB6]  }
0x2f: {  	lr =	sadd.s32 s0, s3;
	s0 =	sld [smem:$0x3FAD]  }
0x30: {  	s3 =	sld [smem:$0x3FB0]  }
0x31: {  	[smem:$0x3FB9] =	sst s10  }
0x32: {  	s10 =	sld [smem:$0x3FB7];
	_ =	sdelay $0x3  }
0x33: {  	p0 =	seq.s32 s10, $0x1;
	s10 =	sld [smem:$0x3FB9];
	_ =	sdelay $0x3  }
0x34: {  	[smem:$0x3FB9] =	sst s10  }
0x35: {  	s10 =	sld [smem:$0x3FB8];
	_ =	sdelay $0x3  }
0x36: {  	p1 =	seq.s32 s10, $0x1;
	s10 =	sld [smem:$0x3FB9];
	_ =	sdelay $0x3  }
0x37: {  	[smem:$0x3FB9] =	sst s10  }
0x38: {  	s10 =	sld [smem:$0x3FBA]  }
0x39: {  	_ = 	snop;
	(pc) =	sbr.ind lr, $3  }
0x3a: {  	_ = 	snop  }
0x3b: {  	_ = 	snop  }
0x3c: {  	p2 =	seq.s32 s10, $0x1;
	s10 =	sld [smem:$0x3FB9]  }
0x3d: {  	_ =	shalt  }
0x3e: {  	_ =	shalt  }
0x3f: {  	_ =	shalt  }
0x40: {  	_ =	shalt  }
0x41: {  	_ =	shalt  }
0x42: {  	_ =	shalt  }
0x43: {  	_ =	shalt  }
0x44: {  	_ =	shalt  }
0x45: {  	_ =	shalt  }
0x46: {  	_ =	shalt  }
0x47: {  	_ =	shalt  }
0x48: {  	_ =	shalt  }
0x49: {  	_ =	shalt  }
0x4a: {  	_ =	shalt  }
0x4b: {  	_ =	shalt  }
0x4c: {  	_ =	shalt  }
0x4d: {  	_ =	shalt  }
0x4e: {  	_ =	shalt  }
0x4f: {  	_ =	shalt  }
0x50: {  	_ =	shalt  }
0x51: {  	_ =	shalt  }
0x52: {  	_ =	shalt  }
0x53: {  	_ =	shalt  }
0x54: {  	_ =	shalt  }
0x55: {  	_ =	shalt  }
0x56: {  	_ =	shalt  }
0x57: {  	_ =	shalt  }
0x58: {  	_ =	shalt  }
0x59: {  	_ =	shalt  }
0x5a: {  	_ =	shalt  }
0x5b: {  	_ =	shalt  }
0x5c: {  	_ =	shalt  }
0x5d: {  	_ =	shalt  }
0x5e: {  	_ =	shalt  }
0x5f: {  	_ =	shalt  }
0x60: {  	_ =	shalt  }
0x61: {  	_ =	shalt  }
0x62: {  	_ =	shalt  }
0x63: {  	_ =	shalt  }
0x64: {  	_ =	shalt  }
0x65: {  	_ =	shalt  }
0x66: {  	_ =	shalt  }
0x67: {  	_ =	shalt  }
0x68: {  	_ =	shalt  }
0x69: {  	_ =	shalt  }
0x6a: {  	_ =	shalt  }
0x6b: {  	_ =	shalt  }
0x6c: {  	_ =	shalt  }
0x6d: {  	_ =	shalt  }
0x6e: {  	_ =	shalt  }
0x6f: {  	_ =	shalt  }
0x70: {  	_ =	shalt  }
0x71: {  	_ =	shalt  }
0x72: {  	_ =	shalt  }
0x73: {  	_ =	shalt  }
0x74: {  	_ =	shalt  }
0x75: {  	_ =	shalt  }
0x76: {  	_ =	shalt  }
0x77: {  	_ =	shalt  }
0x78: {  	_ =	shalt  }
0x79: {  	_ =	shalt  }
0x7a: {  	_ =	shalt  }
0x7b: {  	_ =	shalt  }
0x7c: {  	_ =	shalt  }
0x7d: {  	_ =	shalt  }
0x7e: {  	_ =	shalt  }
0x7f: {  	_ =	shalt  }
0x80: {  	_ =	shalt  }
0x81: {  	_ =	shalt  }
0x82: {  	_ =	shalt  }
0x83: {  	_ =	shalt  }
0x84: {  	_ =	shalt  }
0x85: {  	_ =	shalt  }
0x86: {  	_ =	shalt  }
0x87: {  	_ =	shalt  }
.Lfunc_end0:
.L_simem_size_0:
called_computation_lowered:
.L_overlay_start_0:
0x88: {  	s2 =	sld [smem:$0x3FD9]  }
0x89: {  	s3 =	sld [smem:$0x3FFE];
	_ =	sdelay $0x1  }
0x8a: {  	s1 =	srdreg.scid  }
0x8b: {  	s0 =	sand.u32 $0x1, s1  }
0x8c: {  	s14 =	sshll.u32 s0, $0xA;
	s2 =	sadd.s32 s3, s2  }
0x8d: {  	s2 =	sadd.s32 s2, s14  }
0x8e: {  	[smem:$0x3FC5] =	sst s2  }
0x8f: {  	_ = 	snop  }
0x90: {  	s2 =	sld [smem:$0x3FD0];
	_ =	sdelay $0x2  }
0x91: {  	s4 =	simm.s32 $0xA;
	s5 =	simm.s32 $0x10;
	s15 =	sld [smem:$0x3FC7]  }
0x92: {  	[smem:s5], [sflag:s4] =	dma.local [hbm:s2], $0x1  }
0x93: {  	_ =	swait.eq [sflag:s4], $0x1  }
0x94: {  	[sflag:s4] =	ssyncset.done $0x0  }
0x95: {  	[sflag:s4] =	ssyncadd.s32 $0xFFFFFFFF  }
0x96: {  	s16 =	sld [smem:$0x10];
	(tm) =	ssettm $0x1  }
0x97: {  	s17 =	sld [smem:$0x3FFB];
	_ =	sdelay $0x3  }
0x98: {  	_ =	strace s17  }
0x99: {  	s4 =	sld [smem:$0x3FFC];
	_ =	sdelay $0x3  }
0x9a: {  	_ =	strace s4  }
0x9b: {  	s4 =	sld [smem:$0x3FFD];
	_ =	sdelay $0x3  }
0x9c: {  	_ =	strace s4  }
0x9d: {  	_ =	strace $0x8FFFFFFF  }
0x9e: {  	s18 =	sld [smem:$0x3FDB];
	_ =	sdelay $0x1  }
0x9f: {  	s19 =	simm.s32 $_scs_section_size  }
0xa0: {  	s6 =	simm.s32 $_size__tile_overlayer_lowered;
	s7 =	simm.s32 $_tile_overlayer_lowered  }
0xa1: {  	s22 =	simm.s32 $0x1BFF;
	s21 =	sshll.u32 s7, $0x1;
	s4 =	sadd.s32 s19, s18  }
0xa2: {  	s8 =	simm.s32 $0x0;
	s20 =	sshll.u32 s6, $0x1;
	s6 =	sadd.s32 s21, s4  }
0xa3: {  	[timem:s8], [sflag:s22] =	dma.local [hbm:s6], s20  }
0xa4: {  	_ =	swait.ge [sflag:s22], s20  }
0xa5: {  	s5 =	ssub.s32 $0x0, s20;
	[sflag:s22] =	ssyncset.done $0x0  }
0xa6: {  	[sflag:s22] =	ssyncadd.s32 s5;
	_ =	sdelay $0x1  }
0xa7: {  	s23 =	simm.s32 $0x1B8B  }
0xa8: {  	_ =	swait.ge [sflag:s23], $0x1  }
0xa9: {  	[sflag:s23] =	ssyncset.done $0x0  }
0xaa: {  	s25 =	simm.s32 $0x1B8E;
	s24 =	sld [smem:$0x3FFE];
	[sflag:s23] =	ssyncadd.s32 $0xFFFFFFFF  }
0xab: {  	s26 =	simm.s32 $execute0_lowered;
	[smem:$0x3FD2] =	sst s25  }
0xac: {  	s6 =	sshll.u32 s26, $0x1;
	_ =	strace $0x80000046;
	[dreg:$0x1] =	wrdreg $0xFFFFFFFF  }
0xad: {  	s28 =	simm.s32 $_size_execute0_lowered;
	s4 =	sadd.s32 s4, s6;
	[dreg:$0x0] =	wrdreg $0x0  }
0xae: {  	s6 =	sshll.u32 s28, $0x1;
	[dreg:$0x2] =	wrdreg s4  }
0xaf: {  	[dreg:$0x3] =	wrdreg s6  }
0xb0: {  	[dreg:$0x4] =	wrdreg $0xC0  }
0xb1: {  	_ =	task [dreg:s8], $0x5FFFF  }
0xb2: {  	[dreg:$0x1] =	wrdreg $0xFFFFFFFF  }
0xb3: {  	[dreg:$0x0] =	wrdreg $0x60  }
0xb4: {  	[dreg:$0x2] =	wrdreg s24  }
0xb5: {  	[dreg:$0x3] =	wrdreg s15  }
0xb6: {  	[dreg:$0x4] =	wrdreg s16  }
0xb7: {  	[dreg:$0x5] =	wrdreg $0x9  }
0xb8: {  	_ =	task.clear_ibuf [dreg:s8], $0x6FFFF;
	_ =	strace $0x90000046  }
0xb9: {  	s29 =	simm.s32 $0x9;
	_ =	strace $0x80000048  }
0xba: {  	_ =	swait.ge [sflag:s29], $0x1  }
0xbb: {  	[sflag:s29] =	ssyncadd.s32 $0xFFFFFFFF  }
0xbc: {  	_ =	strace $0x90000048  }
0xbd: {  	_ =	sfence  }
0xbe: {  	s30 =	sld [smem:$0x0];
	_ =	sdelay $0x2  }
0xbf: {  	s31 =	sshll.u32 s1, $0xD;
	s1 =	sshrl.u32 s1, $0x2  }
0xc0: {  	s3 =	sand.u32 $0x4000, s31;
	s1 =	sadd.s32 s1, s30  }
0xc1: {  	s0 =	sor.u32 s3, s0;
	s1 =	sshll.u32 s1, $0x11  }
0xc2: {  	s0 =	sor.u32 s1, s0  }
0xc3: {  	s0 =	sadd.s32 $0x8F2B, s0  }
0xc4: {  	[sflag:s0] =	ssyncadd.remote.s32 $0x1  }
0xc5: {  	_ =	sfence.sel $0xFFFF  }
0xc6: {  	[dreg:$0x0] =	wrdreg $0xFFFFFFFF;
	(pc) =	sbr.abs _section_cstart, $3  }
0xc7: {  	[dreg:$0x1] =	wrdreg $0xFFFFFFFF  }
0xc8: {  	_ =	task.clear_ibuf [dreg:s8], $0x2FFFF;
	_ =	strace $0x9FFFFFFF  }
0xc9: {  	(tm) =	ssettm $0x7FFFFFFF  }
tec
execute0_lowered:
.L_overlay_start_1:
0x0: {  	(tag) =	ssettag $0x1  }
0x1: {  	s5 =	rddreg [dreg:$0x0]  }
0x2: {  	s1 =	rddreg [dreg:$0x1]  }
0x3: {  	s6 =	rddreg [dreg:$0x2]  }
0x4: {  	s0 =	rddreg [dreg:$0x3];
	s3 =	simm.s32 $0x0;
	s4 =	srdreg.scid  }
0x5: {  	s2 =	stileid.u32;
	s12 =	simm.s32 $0x840;
	s13 =	simm.s32 $0x0  }
0x6: {  	[smem:$0x7FF] =	sst s3;
	s7 =	sand.u32 $0x1, s4;
	s30 =	sshll.u32 s2, $0x1  }
0x7: {  	s4 =	sadd.s32 $0x186C00, s5;
	_ =	strace $0x80000047;
	s8 =	sor.u32 s7, s30  }
0x8: {  	s7 =	ssub.s32 $0x2, s7;
	s9 =	sshll.u32 s8, $0x2;
	s10 =	sshll.u32 s8, $0x1  }
0x9: {  	s11 =	sshrl.u32 s7, $0x1;
	s31 =	sshll.u32 s8, $0x7;
	s9 =	sadd.s32 s9, s5  }
0xa: {  	s10 =	sadd.s32 s10, s5;
	s11 =	ssub.s32 s7, s11;
	s6 =	sadd.s32 s6, s31  }
0xb: {  	s5 =	sadd.s32 $0x200, s9;
	s7 =	sadd.s32 $0x400, s10;
	s8 =	smax.u32 s11, $0x1  }
0xc: {  	s9 =	simm.s32 $0x2;
	s10 =	simm.s32 $0x1;
	s11 =	simm.s32 $0x820  }
.LBB2_1:
0xd: {  	[tilespmem:s3], [sflag:$0x2] =	stream.linear.gather [hbm4b:s5+s3], $0x20, $0x38;
	[tilespmem:$0x850] =	vst v63  }
0xe: {  	_ =	swait.ge [sflag:s9], $0x20  }
0xf: {  	[sflag:s9] =	ssyncset.done $0x0  }
0x10: {  	s14 =	simm.s32 $0x20;
	[sflag:s9] =	ssyncadd.s32 $0xFFFFFFE0  }
0x11: {  	[tilespmem:s14], [sflag:$0x1] =	stream.indirect.gather [hbm4b:s4+s14], $0x40, s3, s14, $0xb8;
	[tilespmem:$0x850] =	vst v63  }
0x12: {  	_ =	swait.ge [sflag:s10], $0x800  }
0x13: {  	[sflag:s10] =	ssyncset.done $0x0  }
0x14: {  	[sflag:s10] =	ssyncadd.s32 $0xFFFFF800  }
0x15: {  	[tilespmem:s11], [sflag:$0x1] =	stream.indirect.gather [hbm4b:s1+s14], $0x1, s3, s14, $0xb8;
	[tilespmem:$0x850] =	vst v63  }
0x16: {  	_ =	swait.ge [sflag:s10], $0x20  }
0x17: {  	s15 =	simm.s32 $0x4;
	[sflag:s10] =	ssyncset.done $0x0  }
0x18: {  	s17 =	sadd.s32 $0x0, s6;
	s16 =	simm.s32 $0x60;
	[sflag:s10] =	ssyncadd.s32 $0xFFFFFFE0  }
.LBB2_2:
0x19: {  	[hbm4b:s17+s3] =	stream.linear.scatter [tilespmem:s14], [sflag:$0x2], $0x20, $0x38;
	[tilespmem:$0x850] =	vst v63  }
0x1a: {  	s17 =	smov.u32 s15;
	s14 =	smov.u32 s16;
	p0 =	sne.s32 s15, $0x7C  }
.Ltmp0:
0x1b: {  	s15 =	sadd.s32 $0x4, s15;
	(pc) =	sbr.rel @p0 .LBB2_2-.Ltmp0, $2  }
0x1c: {  	_ =	sdelay $0x2  }
0x1d: {  	s16 =	sadd.s32 $0x40, s16;
	s17 =	sadd.s32 s17, s6  }
0x1e: {  	[hbm4b:s17+s3] =	stream.linear.scatter [tilespmem:s14], [sflag:$0x2], $0x20, $0x38;
	[tilespmem:$0x850] =	vst v63  }
0x1f: {  	_ =	swait.ge [sflag:s9], $0x400  }
0x20: {  	[sflag:s9] =	ssyncset.done $0x0  }
0x21: {  	[sflag:s9] =	ssyncadd.s32 $0xFFFFFC00  }
0x22: {  	v0 =	vld [tilespmem:$0x820]  }
0x23: {  	v1 =	vld [tilespmem:$0x830];
	_ =	sdelay $0x4  }
0x24: {  	v0 =	vcvt.s32.f32 v0;
	v1 =	vcvt.s32.f32 v1;
	_ =	sdelay $0x1  }
0x25: {  	s13 =	sadd.s32 $0x1, s13;
	v0 =	vadd.f32 v1, v0  }
0x26: {  	p0 =	sne.s32 s13, s8  }
.Ltmp1:
0x27: {  	[tilespmem:$0x840] =	vst v0;
	(pc) =	sbr.rel @p0 .LBB2_1-.Ltmp1, $4  }
0x28: {  	[hbm4b:s7+s3] =	stream.linear.scatter [tilespmem:s12], [sflag:$0x2], $0x10, $0x38;
	[tilespmem:$0x850] =	vst v63  }
0x29: {  	_ =	swait.ge [sflag:s9], $0x10  }
0x2a: {  	[sflag:s9] =	ssyncset.done $0x0  }
0x2b: {  	[sflag:s9] =	ssyncadd.s32 $0xFFFFFFF0  }
0x2c: {  	_ =	sfence.sel $0x180000  }
0x2d: {  	[bflag:$0x0] =	sbarrier.arrive $0xFFFF  }
0x2e: {  	p0 =	sne.s32 s2, $0x0;
	_ =	strace $0x90000047  }
0x2f: {  	s0 =	sadd.s32 @!p0 $0x100000, s0;
	[bflag:$0x2] =	sbarrier.arrive $0xFFFF  }
0x30: {  	[sflag:s0] =	ssyncadd.tile.s32 @!p0 $0x1;
	_ =	shalt  }
.Lfunc_end2:
_tile_overlayer_lowered:
.L_overlay_start_2:
0x31: {  	(tag) =	ssettag $0x2  }
0x32: {  	s0 =	rddreg [dreg:$0x0];
	s2 =	stileid.u32  }
0x33: {  	s1 =	rddreg [dreg:$0x1];
	p0 =	sne.s32 s2, $0x0  }
0x34: {  	s3 =	rddreg [dreg:$0x2];
	[bflag:$0x3] =	sbarrier.arrive $0xFFFF;
	s2 =	simm.s32 @!p0 $0x1C02  }
0x35: {  	[timem:s3], [sflag:s2] =	dma.local @!p0 [hbm:s0], s1  }
0x36: {  	s0 =	simm.s32 @!p0 $0x2  }
0x37: {  	_ =	swait.ge @!p0 [sflag:s0], s1  }
0x38: {  	s1 =	ssub.s32 @!p0 $0x0, s1;
	[sflag:s0] =	ssyncset.done @!p0 $0x0  }
0x39: {  	[sflag:s0] =	ssyncadd.s32 @!p0 s1  }
0x3a: {  	[bflag:$0x3] =	sbarrier.arrive $0xFFFF  }
0x3b: {  	_ =	shalt  }

</sc_bundles>
